<compile_context>
chip_gen: v7x
topology: tpu7x:2x2x1
jax: 0.10.2.dev20260603
libtpu: 0.0.44.dev20260713+nightly
codegen_flags: <defaults>
</compile_context>

<pallas_src>
import functools

import jax
import jax.numpy as jnp
from jax import lax
from jax.experimental import pallas as pl
from jax.experimental.pallas import tpu as pltpu
from jax.experimental.pallas import tpu_sc as plsc

D_MODEL = 128
MAX_LEN = 200
BATCH = 1024
TABLE_ROWS = MAX_LEN + 1

NUM_CORES = 2
NUM_SUBCORES = 16
NW = NUM_CORES * NUM_SUBCORES
B_PER_W = BATCH // NW
ROWS_PER_W = B_PER_W * MAX_LEN
LANES = 16
GROUPS_PER_PAIR = 2 * MAX_LEN // LANES
Q = 25
NQ = MAX_LEN // Q
QE = Q * D_MODEL
BATCH_BYTES = MAX_LEN * D_MODEL * 4


def _full(v):
    return jnp.full((LANES,), v, dtype=jnp.int32)


@functools.partial(
    pl.kernel,
    out_type=(
        jax.ShapeDtypeStruct((BATCH * MAX_LEN * D_MODEL,), jnp.float32),
        jax.ShapeDtypeStruct((BATCH * MAX_LEN,), jnp.int32),
    ),
    mesh=plsc.VectorSubcoreMesh(core_axis_name="c", subcore_axis_name="s"),
    scratch_types=[
        pltpu.VMEM((B_PER_W,), jnp.int32),
        pltpu.SMEM((B_PER_W,), jnp.int32),
        pltpu.VMEM((ROWS_PER_W,), jnp.int32),
        pltpu.VMEM((TABLE_ROWS * D_MODEL,), jnp.float32),
        pltpu.VMEM((QE,), jnp.float32),
        pltpu.SemaphoreType.DMA,
        pltpu.SemaphoreType.DMA,
    ],
)
def _pe_fill(pe_hbm, len_hbm, pos_out, idx_out,
             len_v, len_s, idx_v, table_f, zero_f, wsem, isem):
    wid = lax.axis_index("s") * NUM_CORES + lax.axis_index("c")
    base_b = wid * B_PER_W
    base_r = wid * ROWS_PER_W

    pltpu.sync_copy(len_hbm.at[pl.ds(base_b, B_PER_W)], len_v)
    pltpu.sync_copy(pe_hbm, table_f)

    for h in range(B_PER_W // LANES):
        lens16_s = len_v[pl.ds(h * LANES, LANES)]
        for t in range(LANES):
            len_s[h * LANES + t] = lens16_s[t]

    lanes = lax.iota(jnp.int32, LANES)
    fz = jnp.full((LANES,), 0.0, dtype=jnp.float32)

    def zfill(i, carry):
        zero_f[pl.ds(i * LANES, LANES)] = fz
        return carry

    lax.fori_loop(0, QE // LANES, zfill, 0)

    def do_batch(b, carry):
        blen = len_s[b]
        obase = pl.multiple_of((base_r + b * MAX_LEN) * D_MODEL, QE)
        for q in range(NQ):
            qs = q * Q
            dst = pos_out.at[pl.ds(obase + qs * D_MODEL, QE)]

            @pl.when(blen >= qs + Q)
            def _(dst=dst, qs=qs):
                pltpu.async_copy(
                    table_f.at[pl.ds((1 + qs) * D_MODEL, QE)], dst, wsem)

            @pl.when(blen <= qs)
            def _(dst=dst):
                pltpu.async_copy(zero_f, dst, wsem)

            @pl.when(jnp.logical_and(blen > qs, blen < qs + Q))
            def _(qs=qs, blen=blen, obase=obase):
                def row_copy(j, carry2):
                    jj = jnp.where(qs + j < blen, qs + j + 1, 0)
                    src_off = pl.multiple_of(jj * D_MODEL, D_MODEL)
                    dst_off = pl.multiple_of(
                        obase + (qs + j) * D_MODEL, D_MODEL)
                    pltpu.async_copy(
                        table_f.at[pl.ds(src_off, D_MODEL)],
                        pos_out.at[pl.ds(dst_off, D_MODEL)], wsem)
                    return carry2

                lax.fori_loop(0, Q, row_copy, 0)
        return carry

    lax.fori_loop(0, B_PER_W, do_batch, 0)

    len_bc = [_full(len_s[i]) for i in range(B_PER_W)]

    def compute_idx(q, carry):
        r_pair = _full(q * LANES) + lanes
        in_b1 = r_pair >= _full(MAX_LEN)
        pos = jnp.where(in_b1, r_pair - _full(MAX_LEN - 1),
                        r_pair + _full(1))
        qoff = q * LANES
        for p in range(B_PER_W // 2):
            lens = jnp.where(in_b1, len_bc[2 * p + 1], len_bc[2 * p])
            idx = jnp.where(pos <= lens, pos, _full(0))
            idx_v[pl.ds(p * 2 * MAX_LEN + qoff, LANES)] = idx
        return carry

    lax.fori_loop(0, GROUPS_PER_PAIR, compute_idx, 0)

    pltpu.async_copy(idx_v, idx_out.at[pl.ds(base_r, ROWS_PER_W)], isem)

    def drain(b, carry):
        pltpu.make_async_copy(
            pos_out.at[pl.ds(0, MAX_LEN * D_MODEL)],
            table_f.at[pl.ds(0, MAX_LEN * D_MODEL)],
            wsem).wait()
        return carry

    lax.fori_loop(0, B_PER_W, drain, 0)

    pltpu.make_async_copy(idx_v, idx_out.at[pl.ds(base_r, ROWS_PER_W)],
                          isem).wait()


def kernel(input_len, position_encoding):
    len_i32 = input_len.astype(jnp.int32)
    pe_flat = position_encoding.reshape(-1)
    pos_flat, idx_flat = _pe_fill(pe_flat, len_i32)
    return (pos_flat.reshape(BATCH, MAX_LEN, D_MODEL),
            idx_flat.reshape(BATCH, MAX_LEN))

# --- scband reference (transcript-rebuilt; emitter-appended) ---
"""Pipeline reference for scband-positional-encoding-31834297598139 (READ-ONLY COPY).

The authoritative reference and input builder live on the scoring server;
editing this copy changes nothing except your own understanding.
"""

import jax, jax.numpy as jnp
import numpy as np

D_MODEL = 128
MAX_SEQ_LEN = 200
BATCH = 1024

def _build_position_encoding(d_model, max_seq_len):
    pe = np.array([[pos / np.power(10000, 2 * (j // 2) / d_model) for j in range(d_model)] for pos in range(max_seq_len)])
    pe[:, 0::2] = np.sin(pe[:, 0::2])
    pe[:, 1::2] = np.cos(pe[:, 1::2])
    pe = np.concatenate((np.zeros([1, d_model]), pe), axis=0)
    return jnp.asarray(pe, dtype=jnp.float32)

def setup_inputs(seed: int = 0) -> dict:
    key = jax.random.key(seed)
    input_len = jax.random.randint(key, (BATCH,), 0, MAX_SEQ_LEN).astype(jnp.int64)
    position_encoding = _build_position_encoding(D_MODEL, MAX_SEQ_LEN)
    return {"input_len": input_len, "position_encoding": position_encoding}

def reference(input_len, position_encoding):
    input_len = input_len.astype(jnp.int32)
    max_len = position_encoding.shape[0] - 1
    batch = input_len.shape[0]
    input_pos = jnp.arange(1, max_len + 1, dtype=jnp.int32)
    input_pos = jnp.broadcast_to(input_pos, (batch, max_len))
    # tf.sequence_mask(lengths, maxlen): mask[b, j] = j < lengths[b]
    mask = input_pos <= input_len[:, None]
    input_pos = jnp.where(mask, input_pos, 0)
    positions = jnp.take(position_encoding, input_pos, axis=0)
    return (positions, input_pos)

if __name__ == "__main__":
    import jax
    _d = setup_inputs()
    print(jax.jit(kernel)(*tuple(_d.values())))

</pallas_src>

<mosaic_0001>
#map = affine_map<(d0, d1) -> (0)>
module attributes {stable_mosaic.version = 14 : i64} {
  func.func @_pe_fill(%arg0: i32, %arg1: i32, %arg2: memref<25728xf32, #tpu.memory_space<hbm>>, %arg3: memref<1024xi32, #tpu.memory_space<hbm>>, %arg4: memref<26214400xf32, #tpu.memory_space<hbm>>, %arg5: memref<204800xi32, #tpu.memory_space<hbm>>, %arg6: memref<32xi32, #tpu.memory_space<vmem>>, %arg7: memref<32xi32, #tpu.memory_space<smem>>, %arg8: memref<6400xi32, #tpu.memory_space<vmem>>, %arg9: memref<25728xf32, #tpu.memory_space<vmem>>, %arg10: memref<3200xf32, #tpu.memory_space<vmem>>, %arg11: memref<!tpu.dma_semaphore, #tpu.memory_space<semaphore_mem>>, %arg12: memref<!tpu.dma_semaphore, #tpu.memory_space<semaphore_mem>>) attributes {dimension_semantics = [#tpu.dimension_semantics<core_parallel>, #tpu.dimension_semantics<subcore_parallel>], iteration_bounds = array<i64: 2, 16>, scalar_prefetch = 0 : i64, scratch_operands = 7 : i64, tpu.core_type = #tpu.core_type<sc_vector_subcore>, window_params = [{transform_indices = #map}, {transform_indices = #map}, {transform_indices = #map}, {transform_indices = #map}]} {
    %mul3A = arith.constant 2 : i32
    %mul3A_0 = arith.muli %arg1, %mul3A : i32
    %add3A = arith.addi %mul3A_0, %arg0 : i32
    %mul3A_1 = arith.constant 32 : i32
    %mul3A_2 = arith.muli %add3A, %mul3A_1 : i32
    %mul3A_3 = arith.constant 6400 : i32
    %mul3A_4 = arith.muli %add3A, %mul3A_3 : i32
    "tpu.region"() ({
      %run_scoped3A = tpu.sem_alloc : memref<!tpu.dma_semaphore, #tpu.memory_space<semaphore_mem>>
      %dma_start3A_321 = tpu.memref_slice %arg3[%mul3A_2] : memref<1024xi32, #tpu.memory_space<hbm>> -> memref<32xi32, #tpu.memory_space<hbm>>
      %dma_start3A_322 = tpu.memref_slice %arg3[%mul3A_2] : memref<1024xi32, #tpu.memory_space<hbm>> -> memref<32xi32, #tpu.memory_space<hbm>>
      tpu.enqueue_dma source(%dma_start3A_322 : memref<32xi32, #tpu.memory_space<hbm>>) target(%arg6 : memref<32xi32, #tpu.memory_space<vmem>>) target_semaphore(%run_scoped3A : memref<!tpu.dma_semaphore, #tpu.memory_space<semaphore_mem>>)
      %dma_wait3A_323 = tpu.memref_slice %arg3[%mul3A_2] : memref<1024xi32, #tpu.memory_space<hbm>> -> memref<32xi32, #tpu.memory_space<hbm>>
      %dma_wait3A_324 = tpu.memref_slice %arg3[%mul3A_2] : memref<1024xi32, #tpu.memory_space<hbm>> -> memref<32xi32, #tpu.memory_space<hbm>>
      tpu.wait_dma2 semaphore(%run_scoped3A : memref<!tpu.dma_semaphore, #tpu.memory_space<semaphore_mem>>) src(%dma_wait3A_324 : memref<32xi32, #tpu.memory_space<hbm>>) dst(%arg6 : memref<32xi32, #tpu.memory_space<vmem>>)
      tpu.yield
    }) : () -> ()
    "tpu.region"() ({
      %run_scoped3A = tpu.sem_alloc : memref<!tpu.dma_semaphore, #tpu.memory_space<semaphore_mem>>
      tpu.enqueue_dma source(%arg2 : memref<25728xf32, #tpu.memory_space<hbm>>) target(%arg9 : memref<25728xf32, #tpu.memory_space<vmem>>) target_semaphore(%run_scoped3A : memref<!tpu.dma_semaphore, #tpu.memory_space<semaphore_mem>>)
      tpu.wait_dma2 semaphore(%run_scoped3A : memref<!tpu.dma_semaphore, #tpu.memory_space<semaphore_mem>>) src(%arg2 : memref<25728xf32, #tpu.memory_space<hbm>>) dst(%arg9 : memref<25728xf32, #tpu.memory_space<vmem>>)
      tpu.yield
    }) : () -> ()
    %get3A = arith.constant 0 : index
    %get3A_5 = tpu.vector_load %arg6[%get3A] {strides = array<i32>} : memref<32xi32, #tpu.memory_space<vmem>>, vector<16xi32>,
    %get3A_6 = vector.shape_cast %get3A_5 : vector<16xi32> to vector<16xi32>
    %slice3A = vector.extract_strided_slice %get3A_6 {offsets = [0], sizes = [1], strides = [1]} : vector<16xi32> to vector<1xi32>
    %squeeze3A = vector.extract %slice3A[0] : i32 from vector<1xi32>
    %swap3A = arith.constant 0 : i32
    %swap3A_7 = arith.index_cast %swap3A : i32 to index
    %swap3A_8 = memref.load %arg7[%swap3A_7] : memref<32xi32, #tpu.memory_space<smem>>
    memref.store %squeeze3A, %arg7[%swap3A_7] : memref<32xi32, #tpu.memory_space<smem>>
    %slice3A_9 = vector.extract_strided_slice %get3A_6 {offsets = [1], sizes = [1], strides = [1]} : vector<16xi32> to vector<1xi32>
    %squeeze3A_10 = vector.extract %slice3A_9[0] : i32 from vector<1xi32>
    %swap3A_11 = arith.constant 1 : i32
    %swap3A_12 = arith.index_cast %swap3A_11 : i32 to index
    %swap3A_13 = memref.load %arg7[%swap3A_12] : memref<32xi32, #tpu.memory_space<smem>>
    memref.store %squeeze3A_10, %arg7[%swap3A_12] : memref<32xi32, #tpu.memory_space<smem>>
    %slice3A_14 = vector.extract_strided_slice %get3A_6 {offsets = [2], sizes = [1], strides = [1]} : vector<16xi32> to vector<1xi32>
    %squeeze3A_15 = vector.extract %slice3A_14[0] : i32 from vector<1xi32>
    %swap3A_16 = arith.constant 2 : i32
    %swap3A_17 = arith.index_cast %swap3A_16 : i32 to index
    %swap3A_18 = memref.load %arg7[%swap3A_17] : memref<32xi32, #tpu.memory_space<smem>>
    memref.store %squeeze3A_15, %arg7[%swap3A_17] : memref<32xi32, #tpu.memory_space<smem>>
    %slice3A_19 = vector.extract_strided_slice %get3A_6 {offsets = [3], sizes = [1], strides = [1]} : vector<16xi32> to vector<1xi32>
    %squeeze3A_20 = vector.extract %slice3A_19[0] : i32 from vector<1xi32>
    %swap3A_21 = arith.constant 3 : i32
    %swap3A_22 = arith.index_cast %swap3A_21 : i32 to index
    %swap3A_23 = memref.load %arg7[%swap3A_22] : memref<32xi32, #tpu.memory_space<smem>>
    memref.store %squeeze3A_20, %arg7[%swap3A_22] : memref<32xi32, #tpu.memory_space<smem>>
    %slice3A_24 = vector.extract_strided_slice %get3A_6 {offsets = [4], sizes = [1], strides = [1]} : vector<16xi32> to vector<1xi32>
    %squeeze3A_25 = vector.extract %slice3A_24[0] : i32 from vector<1xi32>
    %swap3A_26 = arith.constant 4 : i32
    %swap3A_27 = arith.index_cast %swap3A_26 : i32 to index
    %swap3A_28 = memref.load %arg7[%swap3A_27] : memref<32xi32, #tpu.memory_space<smem>>
    memref.store %squeeze3A_25, %arg7[%swap3A_27] : memref<32xi32, #tpu.memory_space<smem>>
    %slice3A_29 = vector.extract_strided_slice %get3A_6 {offsets = [5], sizes = [1], strides = [1]} : vector<16xi32> to vector<1xi32>
    %squeeze3A_30 = vector.extract %slice3A_29[0] : i32 from vector<1xi32>
    %swap3A_31 = arith.constant 5 : i32
    %swap3A_32 = arith.index_cast %swap3A_31 : i32 to index
    %swap3A_33 = memref.load %arg7[%swap3A_32] : memref<32xi32, #tpu.memory_space<smem>>
    memref.store %squeeze3A_30, %arg7[%swap3A_32] : memref<32xi32, #tpu.memory_space<smem>>
    %slice3A_34 = vector.extract_strided_slice %get3A_6 {offsets = [6], sizes = [1], strides = [1]} : vector<16xi32> to vector<1xi32>
    %squeeze3A_35 = vector.extract %slice3A_34[0] : i32 from vector<1xi32>
    %swap3A_36 = arith.constant 6 : i32
    %swap3A_37 = arith.index_cast %swap3A_36 : i32 to index
    %swap3A_38 = memref.load %arg7[%swap3A_37] : memref<32xi32, #tpu.memory_space<smem>>
    memref.store %squeeze3A_35, %arg7[%swap3A_37] : memref<32xi32, #tpu.memory_space<smem>>
    %slice3A_39 = vector.extract_strided_slice %get3A_6 {offsets = [7], sizes = [1], strides = [1]} : vector<16xi32> to vector<1xi32>
    %squeeze3A_40 = vector.extract %slice3A_39[0] : i32 from vector<1xi32>
    %swap3A_41 = arith.constant 7 : i32
    %swap3A_42 = arith.index_cast %swap3A_41 : i32 to index
    %swap3A_43 = memref.load %arg7[%swap3A_42] : memref<32xi32, #tpu.memory_space<smem>>
    memref.store %squeeze3A_40, %arg7[%swap3A_42] : memref<32xi32, #tpu.memory_space<smem>>
    %slice3A_44 = vector.extract_strided_slice %get3A_6 {offsets = [8], sizes = [1], strides = [1]} : vector<16xi32> to vector<1xi32>
    %squeeze3A_45 = vector.extract %slice3A_44[0] : i32 from vector<1xi32>
    %swap3A_46 = arith.constant 8 : i32
    %swap3A_47 = arith.index_cast %swap3A_46 : i32 to index
    %swap3A_48 = memref.load %arg7[%swap3A_47] : memref<32xi32, #tpu.memory_space<smem>>
    memref.store %squeeze3A_45, %arg7[%swap3A_47] : memref<32xi32, #tpu.memory_space<smem>>
    %slice3A_49 = vector.extract_strided_slice %get3A_6 {offsets = [9], sizes = [1], strides = [1]} : vector<16xi32> to vector<1xi32>
    %squeeze3A_50 = vector.extract %slice3A_49[0] : i32 from vector<1xi32>
    %swap3A_51 = arith.constant 9 : i32
    %swap3A_52 = arith.index_cast %swap3A_51 : i32 to index
    %swap3A_53 = memref.load %arg7[%swap3A_52] : memref<32xi32, #tpu.memory_space<smem>>
    memref.store %squeeze3A_50, %arg7[%swap3A_52] : memref<32xi32, #tpu.memory_space<smem>>
    %slice3A_54 = vector.extract_strided_slice %get3A_6 {offsets = [10], sizes = [1], strides = [1]} : vector<16xi32> to vector<1xi32>
    %squeeze3A_55 = vector.extract %slice3A_54[0] : i32 from vector<1xi32>
    %swap3A_56 = arith.constant 10 : i32
    %swap3A_57 = arith.index_cast %swap3A_56 : i32 to index
    %swap3A_58 = memref.load %arg7[%swap3A_57] : memref<32xi32, #tpu.memory_space<smem>>
    memref.store %squeeze3A_55, %arg7[%swap3A_57] : memref<32xi32, #tpu.memory_space<smem>>
    %slice3A_59 = vector.extract_strided_slice %get3A_6 {offsets = [11], sizes = [1], strides = [1]} : vector<16xi32> to vector<1xi32>
    %squeeze3A_60 = vector.extract %slice3A_59[0] : i32 from vector<1xi32>
    %swap3A_61 = arith.constant 11 : i32
    %swap3A_62 = arith.index_cast %swap3A_61 : i32 to index
    %swap3A_63 = memref.load %arg7[%swap3A_62] : memref<32xi32, #tpu.memory_space<smem>>
    memref.store %squeeze3A_60, %arg7[%swap3A_62] : memref<32xi32, #tpu.memory_space<smem>>
    %slice3A_64 = vector.extract_strided_slice %get3A_6 {offsets = [12], sizes = [1], strides = [1]} : vector<16xi32> to vector<1xi32>
    %squeeze3A_65 = vector.extract %slice3A_64[0] : i32 from vector<1xi32>
    %swap3A_66 = arith.constant 12 : i32
    %swap3A_67 = arith.index_cast %swap3A_66 : i32 to index
    %swap3A_68 = memref.load %arg7[%swap3A_67] : memref<32xi32, #tpu.memory_space<smem>>
    memref.store %squeeze3A_65, %arg7[%swap3A_67] : memref<32xi32, #tpu.memory_space<smem>>
    %slice3A_69 = vector.extract_strided_slice %get3A_6 {offsets = [13], sizes = [1], strides = [1]} : vector<16xi32> to vector<1xi32>
    %squeeze3A_70 = vector.extract %slice3A_69[0] : i32 from vector<1xi32>
    %swap3A_71 = arith.constant 13 : i32
    %swap3A_72 = arith.index_cast %swap3A_71 : i32 to index
    %swap3A_73 = memref.load %arg7[%swap3A_72] : memref<32xi32, #tpu.memory_space<smem>>
    memref.store %squeeze3A_70, %arg7[%swap3A_72] : memref<32xi32, #tpu.memory_space<smem>>
    %slice3A_74 = vector.extract_strided_slice %get3A_6 {offsets = [14], sizes = [1], strides = [1]} : vector<16xi32> to vector<1xi32>
    %squeeze3A_75 = vector.extract %slice3A_74[0] : i32 from vector<1xi32>
    %swap3A_76 = arith.constant 14 : i32
    %swap3A_77 = arith.index_cast %swap3A_76 : i32 to index
    %swap3A_78 = memref.load %arg7[%swap3A_77] : memref<32xi32, #tpu.memory_space<smem>>
    memref.store %squeeze3A_75, %arg7[%swap3A_77] : memref<32xi32, #tpu.memory_space<smem>>
    %slice3A_79 = vector.extract_strided_slice %get3A_6 {offsets = [15], sizes = [1], strides = [1]} : vector<16xi32> to vector<1xi32>
    %squeeze3A_80 = vector.extract %slice3A_79[0] : i32 from vector<1xi32>
    %swap3A_81 = arith.constant 15 : i32
    %swap3A_82 = arith.index_cast %swap3A_81 : i32 to index
    %swap3A_83 = memref.load %arg7[%swap3A_82] : memref<32xi32, #tpu.memory_space<smem>>
    memref.store %squeeze3A_80, %arg7[%swap3A_82] : memref<32xi32, #tpu.memory_space<smem>>
    %get3A_84 = arith.constant 16 : index
    %get3A_85 = tpu.vector_load %arg6[%get3A_84] {strides = array<i32>} : memref<32xi32, #tpu.memory_space<vmem>>, vector<16xi32>,
    %get3A_86 = vector.shape_cast %get3A_85 : vector<16xi32> to vector<16xi32>
    %slice3A_87 = vector.extract_strided_slice %get3A_86 {offsets = [0], sizes = [1], strides = [1]} : vector<16xi32> to vector<1xi32>
    %squeeze3A_88 = vector.extract %slice3A_87[0] : i32 from vector<1xi32>
    %swap3A_89 = arith.constant 16 : i32
    %swap3A_90 = arith.index_cast %swap3A_89 : i32 to index
    %swap3A_91 = memref.load %arg7[%swap3A_90] : memref<32xi32, #tpu.memory_space<smem>>
    memref.store %squeeze3A_88, %arg7[%swap3A_90] : memref<32xi32, #tpu.memory_space<smem>>
    %slice3A_92 = vector.extract_strided_slice %get3A_86 {offsets = [1], sizes = [1], strides = [1]} : vector<16xi32> to vector<1xi32>
    %squeeze3A_93 = vector.extract %slice3A_92[0] : i32 from vector<1xi32>
    %swap3A_94 = arith.constant 17 : i32
    %swap3A_95 = arith.index_cast %swap3A_94 : i32 to index
    %swap3A_96 = memref.load %arg7[%swap3A_95] : memref<32xi32, #tpu.memory_space<smem>>
    memref.store %squeeze3A_93, %arg7[%swap3A_95] : memref<32xi32, #tpu.memory_space<smem>>
    %slice3A_97 = vector.extract_strided_slice %get3A_86 {offsets = [2], sizes = [1], strides = [1]} : vector<16xi32> to vector<1xi32>
    %squeeze3A_98 = vector.extract %slice3A_97[0] : i32 from vector<1xi32>
    %swap3A_99 = arith.constant 18 : i32
    %swap3A_100 = arith.index_cast %swap3A_99 : i32 to index
    %swap3A_101 = memref.load %arg7[%swap3A_100] : memref<32xi32, #tpu.memory_space<smem>>
    memref.store %squeeze3A_98, %arg7[%swap3A_100] : memref<32xi32, #tpu.memory_space<smem>>
    %slice3A_102 = vector.extract_strided_slice %get3A_86 {offsets = [3], sizes = [1], strides = [1]} : vector<16xi32> to vector<1xi32>
    %squeeze3A_103 = vector.extract %slice3A_102[0] : i32 from vector<1xi32>
    %swap3A_104 = arith.constant 19 : i32
    %swap3A_105 = arith.index_cast %swap3A_104 : i32 to index
    %swap3A_106 = memref.load %arg7[%swap3A_105] : memref<32xi32, #tpu.memory_space<smem>>
    memref.store %squeeze3A_103, %arg7[%swap3A_105] : memref<32xi32, #tpu.memory_space<smem>>
    %slice3A_107 = vector.extract_strided_slice %get3A_86 {offsets = [4], sizes = [1], strides = [1]} : vector<16xi32> to vector<1xi32>
    %squeeze3A_108 = vector.extract %slice3A_107[0] : i32 from vector<1xi32>
    %swap3A_109 = arith.constant 20 : i32
    %swap3A_110 = arith.index_cast %swap3A_109 : i32 to index
    %swap3A_111 = memref.load %arg7[%swap3A_110] : memref<32xi32, #tpu.memory_space<smem>>
    memref.store %squeeze3A_108, %arg7[%swap3A_110] : memref<32xi32, #tpu.memory_space<smem>>
    %slice3A_112 = vector.extract_strided_slice %get3A_86 {offsets = [5], sizes = [1], strides = [1]} : vector<16xi32> to vector<1xi32>
    %squeeze3A_113 = vector.extract %slice3A_112[0] : i32 from vector<1xi32>
    %swap3A_114 = arith.constant 21 : i32
    %swap3A_115 = arith.index_cast %swap3A_114 : i32 to index
    %swap3A_116 = memref.load %arg7[%swap3A_115] : memref<32xi32, #tpu.memory_space<smem>>
    memref.store %squeeze3A_113, %arg7[%swap3A_115] : memref<32xi32, #tpu.memory_space<smem>>
    %slice3A_117 = vector.extract_strided_slice %get3A_86 {offsets = [6], sizes = [1], strides = [1]} : vector<16xi32> to vector<1xi32>
    %squeeze3A_118 = vector.extract %slice3A_117[0] : i32 from vector<1xi32>
    %swap3A_119 = arith.constant 22 : i32
    %swap3A_120 = arith.index_cast %swap3A_119 : i32 to index
    %swap3A_121 = memref.load %arg7[%swap3A_120] : memref<32xi32, #tpu.memory_space<smem>>
    memref.store %squeeze3A_118, %arg7[%swap3A_120] : memref<32xi32, #tpu.memory_space<smem>>
    %slice3A_122 = vector.extract_strided_slice %get3A_86 {offsets = [7], sizes = [1], strides = [1]} : vector<16xi32> to vector<1xi32>
    %squeeze3A_123 = vector.extract %slice3A_122[0] : i32 from vector<1xi32>
    %swap3A_124 = arith.constant 23 : i32
    %swap3A_125 = arith.index_cast %swap3A_124 : i32 to index
    %swap3A_126 = memref.load %arg7[%swap3A_125] : memref<32xi32, #tpu.memory_space<smem>>
    memref.store %squeeze3A_123, %arg7[%swap3A_125] : memref<32xi32, #tpu.memory_space<smem>>
    %slice3A_127 = vector.extract_strided_slice %get3A_86 {offsets = [8], sizes = [1], strides = [1]} : vector<16xi32> to vector<1xi32>
    %squeeze3A_128 = vector.extract %slice3A_127[0] : i32 from vector<1xi32>
    %swap3A_129 = arith.constant 24 : i32
    %swap3A_130 = arith.index_cast %swap3A_129 : i32 to index
    %swap3A_131 = memref.load %arg7[%swap3A_130] : memref<32xi32, #tpu.memory_space<smem>>
    memref.store %squeeze3A_128, %arg7[%swap3A_130] : memref<32xi32, #tpu.memory_space<smem>>
    %slice3A_132 = vector.extract_strided_slice %get3A_86 {offsets = [9], sizes = [1], strides = [1]} : vector<16xi32> to vector<1xi32>
    %squeeze3A_133 = vector.extract %slice3A_132[0] : i32 from vector<1xi32>
    %swap3A_134 = arith.constant 25 : i32
    %swap3A_135 = arith.index_cast %swap3A_134 : i32 to index
    %swap3A_136 = memref.load %arg7[%swap3A_135] : memref<32xi32, #tpu.memory_space<smem>>
    memref.store %squeeze3A_133, %arg7[%swap3A_135] : memref<32xi32, #tpu.memory_space<smem>>
    %slice3A_137 = vector.extract_strided_slice %get3A_86 {offsets = [10], sizes = [1], strides = [1]} : vector<16xi32> to vector<1xi32>
    %squeeze3A_138 = vector.extract %slice3A_137[0] : i32 from vector<1xi32>
    %swap3A_139 = arith.constant 26 : i32
    %swap3A_140 = arith.index_cast %swap3A_139 : i32 to index
    %swap3A_141 = memref.load %arg7[%swap3A_140] : memref<32xi32, #tpu.memory_space<smem>>
    memref.store %squeeze3A_138, %arg7[%swap3A_140] : memref<32xi32, #tpu.memory_space<smem>>
    %slice3A_142 = vector.extract_strided_slice %get3A_86 {offsets = [11], sizes = [1], strides = [1]} : vector<16xi32> to vector<1xi32>
    %squeeze3A_143 = vector.extract %slice3A_142[0] : i32 from vector<1xi32>
    %swap3A_144 = arith.constant 27 : i32
    %swap3A_145 = arith.index_cast %swap3A_144 : i32 to index
    %swap3A_146 = memref.load %arg7[%swap3A_145] : memref<32xi32, #tpu.memory_space<smem>>
    memref.store %squeeze3A_143, %arg7[%swap3A_145] : memref<32xi32, #tpu.memory_space<smem>>
    %slice3A_147 = vector.extract_strided_slice %get3A_86 {offsets = [12], sizes = [1], strides = [1]} : vector<16xi32> to vector<1xi32>
    %squeeze3A_148 = vector.extract %slice3A_147[0] : i32 from vector<1xi32>
    %swap3A_149 = arith.constant 28 : i32
    %swap3A_150 = arith.index_cast %swap3A_149 : i32 to index
    %swap3A_151 = memref.load %arg7[%swap3A_150] : memref<32xi32, #tpu.memory_space<smem>>
    memref.store %squeeze3A_148, %arg7[%swap3A_150] : memref<32xi32, #tpu.memory_space<smem>>
    %slice3A_152 = vector.extract_strided_slice %get3A_86 {offsets = [13], sizes = [1], strides = [1]} : vector<16xi32> to vector<1xi32>
    %squeeze3A_153 = vector.extract %slice3A_152[0] : i32 from vector<1xi32>
    %swap3A_154 = arith.constant 29 : i32
    %swap3A_155 = arith.index_cast %swap3A_154 : i32 to index
    %swap3A_156 = memref.load %arg7[%swap3A_155] : memref<32xi32, #tpu.memory_space<smem>>
    memref.store %squeeze3A_153, %arg7[%swap3A_155] : memref<32xi32, #tpu.memory_space<smem>>
    %slice3A_157 = vector.extract_strided_slice %get3A_86 {offsets = [14], sizes = [1], strides = [1]} : vector<16xi32> to vector<1xi32>
    %squeeze3A_158 = vector.extract %slice3A_157[0] : i32 from vector<1xi32>
    %swap3A_159 = arith.constant 30 : i32
    %swap3A_160 = arith.index_cast %swap3A_159 : i32 to index
    %swap3A_161 = memref.load %arg7[%swap3A_160] : memref<32xi32, #tpu.memory_space<smem>>
    memref.store %squeeze3A_158, %arg7[%swap3A_160] : memref<32xi32, #tpu.memory_space<smem>>
    %slice3A_162 = vector.extract_strided_slice %get3A_86 {offsets = [15], sizes = [1], strides = [1]} : vector<16xi32> to vector<1xi32>
    %squeeze3A_163 = vector.extract %slice3A_162[0] : i32 from vector<1xi32>
    %swap3A_164 = arith.constant 31 : i32
    %swap3A_165 = arith.index_cast %swap3A_164 : i32 to index
    %swap3A_166 = memref.load %arg7[%swap3A_165] : memref<32xi32, #tpu.memory_space<smem>>
    memref.store %squeeze3A_163, %arg7[%swap3A_165] : memref<32xi32, #tpu.memory_space<smem>>
    %iota3A = tpu.iota {dimensions = array<i32: 0>} : vector<16xi32>
    %broadcast_in_dim3A = arith.constant 0.000000e+00 : f32
    %broadcast_in_dim3A_167 = vector.broadcast %broadcast_in_dim3A : f32 to vector<16xf32>
    %scan3A = arith.constant 0 : i32
    %scan3A_168 = arith.constant 0 : i32
    %scan3A_169 = arith.constant 200 : i32
    %scan3A_170 = arith.addi %scan3A_168, %scan3A_169 : i32
    %scan3A_171 = arith.constant 1 : i32
    scf.for %scan3A_321 = %scan3A_168 to %scan3A_170 step %scan3A_171  : i32 {
      %mul3A_322 = arith.constant 16 : i32
      %mul3A_323 = arith.muli %scan3A_321, %mul3A_322 : i32
      %swap3A_324 = arith.index_cast %mul3A_323 : i32 to index
      %swap3A_325 = tpu.vector_load %arg10[%swap3A_324] {strides = array<i32>} : memref<3200xf32, #tpu.memory_space<vmem>>, vector<16xf32>,
      %swap3A_326 = vector.shape_cast %swap3A_325 : vector<16xf32> to vector<16xf32>
      %swap3A_327 = vector.shape_cast %broadcast_in_dim3A_167 : vector<16xf32> to vector<16xf32>
      tpu.vector_store %arg10[%swap3A_324], %swap3A_327 {strides = array<i32>} : memref<3200xf32, #tpu.memory_space<vmem>>, vector<16xf32>,
    }
    %scan3A_172 = arith.constant 200 : i32
    %scan3A_173 = arith.constant 0 : i32
    %scan3A_174 = arith.constant 0 : i32
    %scan3A_175 = arith.constant 32 : i32
    %scan3A_176 = arith.addi %scan3A_174, %scan3A_175 : i32
    %scan3A_177 = arith.constant 1 : i32
    scf.for %scan3A_321 = %scan3A_174 to %scan3A_176 step %scan3A_177  : i32 {
      %get3A_322 = arith.index_cast %scan3A_321 : i32 to index
      %get3A_323 = memref.load %arg7[%get3A_322] : memref<32xi32, #tpu.memory_space<smem>>
      %mul3A_324 = arith.constant 200 : i32
      %mul3A_325 = arith.muli %scan3A_321, %mul3A_324 : i32
      %add3A_326 = arith.addi %mul3A_4, %mul3A_325 : i32
      %mul3A_327 = arith.constant 128 : i32
      %mul3A_328 = arith.muli %add3A_326, %mul3A_327 : i32
      %multiple_of3A = tpu.assume_multiple %mul3A_328, 3200 : i32
      %add3A_329 = arith.constant 0 : i32
      %add3A_330 = arith.addi %multiple_of3A, %add3A_329 : i32
      %ge3A = arith.constant 25 : i32
      %ge3A_331 = arith.cmpi sge, %get3A_323, %ge3A : i32
      %convert_element_type3A = arith.extui %ge3A_331 : i1 to i32
      %cond3A = arith.constant 0 : i32
      %cond3A_332 = arith.cmpi ne, %convert_element_type3A, %cond3A : i32
      scf.if %cond3A_332 {
        %dma_start3A_482 = arith.constant 128 : i32
        %dma_start3A_483 = tpu.memref_slice %arg9[%dma_start3A_482] : memref<25728xf32, #tpu.memory_space<vmem>> -> memref<3200xf32, #tpu.memory_space<vmem>>
        %dma_start3A_484 = tpu.memref_slice %arg4[%add3A_330] : memref<26214400xf32, #tpu.memory_space<hbm>> -> memref<3200xf32, #tpu.memory_space<hbm>>
        %dma_start3A_485 = tpu.memref_slice %arg4[%add3A_330] : memref<26214400xf32, #tpu.memory_space<hbm>> -> memref<3200xf32, #tpu.memory_space<hbm>>
        %dma_start3A_486 = arith.constant 128 : i32
        %dma_start3A_487 = tpu.memref_slice %arg9[%dma_start3A_486] : memref<25728xf32, #tpu.memory_space<vmem>> -> memref<3200xf32, #tpu.memory_space<vmem>>
        tpu.enqueue_dma source(%dma_start3A_487 : memref<3200xf32, #tpu.memory_space<vmem>>) target(%dma_start3A_485 : memref<3200xf32, #tpu.memory_space<hbm>>) target_semaphore(%arg11 : memref<!tpu.dma_semaphore, #tpu.memory_space<semaphore_mem>>)
      } else {
      }
      %le3A = arith.constant 0 : i32
      %le3A_333 = arith.cmpi sle, %get3A_323, %le3A : i32
      %convert_element_type3A_334 = arith.extui %le3A_333 : i1 to i32
      %cond3A_335 = arith.constant 0 : i32
      %cond3A_336 = arith.cmpi ne, %convert_element_type3A_334, %cond3A_335 : i32
      scf.if %cond3A_336 {
        %dma_start3A_482 = tpu.memref_slice %arg4[%add3A_330] : memref<26214400xf32, #tpu.memory_space<hbm>> -> memref<3200xf32, #tpu.memory_space<hbm>>
        %dma_start3A_483 = tpu.memref_slice %arg4[%add3A_330] : memref<26214400xf32, #tpu.memory_space<hbm>> -> memref<3200xf32, #tpu.memory_space<hbm>>
        tpu.enqueue_dma source(%arg10 : memref<3200xf32, #tpu.memory_space<vmem>>) target(%dma_start3A_483 : memref<3200xf32, #tpu.memory_space<hbm>>) target_semaphore(%arg11 : memref<!tpu.dma_semaphore, #tpu.memory_space<semaphore_mem>>)
      } else {
      }
      %gt3A = arith.constant 0 : i32
      %gt3A_337 = arith.cmpi sgt, %get3A_323, %gt3A : i32
      %lt3A = arith.constant 25 : i32
      %lt3A_338 = arith.cmpi slt, %get3A_323, %lt3A : i32
      %and3A = arith.andi %gt3A_337, %lt3A_338 : i1
      %convert_element_type3A_339 = arith.extui %and3A : i1 to i32
      %cond3A_340 = arith.constant 0 : i32
      %cond3A_341 = arith.cmpi ne, %convert_element_type3A_339, %cond3A_340 : i32
      scf.if %cond3A_341 {
        %scan3A_482 = arith.constant 0 : i32
        %scan3A_483 = arith.constant 0 : i32
        %scan3A_484 = arith.constant 25 : i32
        %scan3A_485 = arith.addi %scan3A_483, %scan3A_484 : i32
        %scan3A_486 = arith.constant 1 : i32
        scf.for %scan3A_488 = %scan3A_483 to %scan3A_485 step %scan3A_486  : i32 {
          %add3A_489 = arith.constant 0 : i32
          %add3A_490 = arith.addi %add3A_489, %scan3A_488 : i32
          %lt3A_491 = arith.cmpi slt, %add3A_490, %get3A_323 : i32
          %add3A_492 = arith.constant 0 : i32
          %add3A_493 = arith.addi %add3A_492, %scan3A_488 : i32
          %add3A_494 = arith.constant 1 : i32
          %add3A_495 = arith.addi %add3A_493, %add3A_494 : i32
          %jit3A = arith.constant 0 : i32
          %select_n3A = arith.select %lt3A_491, %add3A_495, %jit3A : i32
          %mul3A_496 = arith.constant 128 : i32
          %mul3A_497 = arith.muli %select_n3A, %mul3A_496 : i32
          %multiple_of3A_498 = tpu.assume_multiple %mul3A_497, 128 : i32
          %add3A_499 = arith.constant 0 : i32
          %add3A_500 = arith.addi %add3A_499, %scan3A_488 : i32
          %mul3A_501 = arith.constant 128 : i32
          %mul3A_502 = arith.muli %add3A_500, %mul3A_501 : i32
          %add3A_503 = arith.addi %multiple_of3A, %mul3A_502 : i32
          %multiple_of3A_504 = tpu.assume_multiple %add3A_503, 128 : i32
          %dma_start3A_505 = tpu.memref_slice %arg9[%multiple_of3A_498] : memref<25728xf32, #tpu.memory_space<vmem>> -> memref<128xf32, #tpu.memory_space<vmem>>
          %dma_start3A_506 = tpu.memref_slice %arg4[%multiple_of3A_504] : memref<26214400xf32, #tpu.memory_space<hbm>> -> memref<128xf32, #tpu.memory_space<hbm>>
          %dma_start3A_507 = tpu.memref_slice %arg4[%multiple_of3A_504] : memref<26214400xf32, #tpu.memory_space<hbm>> -> memref<128xf32, #tpu.memory_space<hbm>>
          %dma_start3A_508 = tpu.memref_slice %arg9[%multiple_of3A_498] : memref<25728xf32, #tpu.memory_space<vmem>> -> memref<128xf32, #tpu.memory_space<vmem>>
          tpu.enqueue_dma source(%dma_start3A_508 : memref<128xf32, #tpu.memory_space<vmem>>) target(%dma_start3A_507 : memref<128xf32, #tpu.memory_space<hbm>>) target_semaphore(%arg11 : memref<!tpu.dma_semaphore, #tpu.memory_space<semaphore_mem>>)
        }
        %scan3A_487 = arith.constant 25 : i32
      } else {
      }
      %add3A_342 = arith.constant 3200 : i32
      %add3A_343 = arith.addi %multiple_of3A, %add3A_342 : i32
      %ge3A_344 = arith.constant 50 : i32
      %ge3A_345 = arith.cmpi sge, %get3A_323, %ge3A_344 : i32
      %convert_element_type3A_346 = arith.extui %ge3A_345 : i1 to i32
      %cond3A_347 = arith.constant 0 : i32
      %cond3A_348 = arith.cmpi ne, %convert_element_type3A_346, %cond3A_347 : i32
      scf.if %cond3A_348 {
        %dma_start3A_482 = arith.constant 3328 : i32
        %dma_start3A_483 = tpu.memref_slice %arg9[%dma_start3A_482] : memref<25728xf32, #tpu.memory_space<vmem>> -> memref<3200xf32, #tpu.memory_space<vmem>>
        %dma_start3A_484 = tpu.memref_slice %arg4[%add3A_343] : memref<26214400xf32, #tpu.memory_space<hbm>> -> memref<3200xf32, #tpu.memory_space<hbm>>
        %dma_start3A_485 = tpu.memref_slice %arg4[%add3A_343] : memref<26214400xf32, #tpu.memory_space<hbm>> -> memref<3200xf32, #tpu.memory_space<hbm>>
        %dma_start3A_486 = arith.constant 3328 : i32
        %dma_start3A_487 = tpu.memref_slice %arg9[%dma_start3A_486] : memref<25728xf32, #tpu.memory_space<vmem>> -> memref<3200xf32, #tpu.memory_space<vmem>>
        tpu.enqueue_dma source(%dma_start3A_487 : memref<3200xf32, #tpu.memory_space<vmem>>) target(%dma_start3A_485 : memref<3200xf32, #tpu.memory_space<hbm>>) target_semaphore(%arg11 : memref<!tpu.dma_semaphore, #tpu.memory_space<semaphore_mem>>)
      } else {
      }
      %le3A_349 = arith.constant 25 : i32
      %le3A_350 = arith.cmpi sle, %get3A_323, %le3A_349 : i32
      %convert_element_type3A_351 = arith.extui %le3A_350 : i1 to i32
      %cond3A_352 = arith.constant 0 : i32
      %cond3A_353 = arith.cmpi ne, %convert_element_type3A_351, %cond3A_352 : i32
      scf.if %cond3A_353 {
        %dma_start3A_482 = tpu.memref_slice %arg4[%add3A_343] : memref<26214400xf32, #tpu.memory_space<hbm>> -> memref<3200xf32, #tpu.memory_space<hbm>>
        %dma_start3A_483 = tpu.memref_slice %arg4[%add3A_343] : memref<26214400xf32, #tpu.memory_space<hbm>> -> memref<3200xf32, #tpu.memory_space<hbm>>
        tpu.enqueue_dma source(%arg10 : memref<3200xf32, #tpu.memory_space<vmem>>) target(%dma_start3A_483 : memref<3200xf32, #tpu.memory_space<hbm>>) target_semaphore(%arg11 : memref<!tpu.dma_semaphore, #tpu.memory_space<semaphore_mem>>)
      } else {
      }
      %gt3A_354 = arith.constant 25 : i32
      %gt3A_355 = arith.cmpi sgt, %get3A_323, %gt3A_354 : i32
      %lt3A_356 = arith.constant 50 : i32
      %lt3A_357 = arith.cmpi slt, %get3A_323, %lt3A_356 : i32
      %and3A_358 = arith.andi %gt3A_355, %lt3A_357 : i1
      %convert_element_type3A_359 = arith.extui %and3A_358 : i1 to i32
      %cond3A_360 = arith.constant 0 : i32
      %cond3A_361 = arith.cmpi ne, %convert_element_type3A_359, %cond3A_360 : i32
      scf.if %cond3A_361 {
        %scan3A_482 = arith.constant 0 : i32
        %scan3A_483 = arith.constant 0 : i32
        %scan3A_484 = arith.constant 25 : i32
        %scan3A_485 = arith.addi %scan3A_483, %scan3A_484 : i32
        %scan3A_486 = arith.constant 1 : i32
        scf.for %scan3A_488 = %scan3A_483 to %scan3A_485 step %scan3A_486  : i32 {
          %add3A_489 = arith.constant 25 : i32
          %add3A_490 = arith.addi %add3A_489, %scan3A_488 : i32
          %lt3A_491 = arith.cmpi slt, %add3A_490, %get3A_323 : i32
          %add3A_492 = arith.constant 25 : i32
          %add3A_493 = arith.addi %add3A_492, %scan3A_488 : i32
          %add3A_494 = arith.constant 1 : i32
          %add3A_495 = arith.addi %add3A_493, %add3A_494 : i32
          %jit3A = arith.constant 0 : i32
          %select_n3A = arith.select %lt3A_491, %add3A_495, %jit3A : i32
          %mul3A_496 = arith.constant 128 : i32
          %mul3A_497 = arith.muli %select_n3A, %mul3A_496 : i32
          %multiple_of3A_498 = tpu.assume_multiple %mul3A_497, 128 : i32
          %add3A_499 = arith.constant 25 : i32
          %add3A_500 = arith.addi %add3A_499, %scan3A_488 : i32
          %mul3A_501 = arith.constant 128 : i32
          %mul3A_502 = arith.muli %add3A_500, %mul3A_501 : i32
          %add3A_503 = arith.addi %multiple_of3A, %mul3A_502 : i32
          %multiple_of3A_504 = tpu.assume_multiple %add3A_503, 128 : i32
          %dma_start3A_505 = tpu.memref_slice %arg9[%multiple_of3A_498] : memref<25728xf32, #tpu.memory_space<vmem>> -> memref<128xf32, #tpu.memory_space<vmem>>
          %dma_start3A_506 = tpu.memref_slice %arg4[%multiple_of3A_504] : memref<26214400xf32, #tpu.memory_space<hbm>> -> memref<128xf32, #tpu.memory_space<hbm>>
          %dma_start3A_507 = tpu.memref_slice %arg4[%multiple_of3A_504] : memref<26214400xf32, #tpu.memory_space<hbm>> -> memref<128xf32, #tpu.memory_space<hbm>>
          %dma_start3A_508 = tpu.memref_slice %arg9[%multiple_of3A_498] : memref<25728xf32, #tpu.memory_space<vmem>> -> memref<128xf32, #tpu.memory_space<vmem>>
          tpu.enqueue_dma source(%dma_start3A_508 : memref<128xf32, #tpu.memory_space<vmem>>) target(%dma_start3A_507 : memref<128xf32, #tpu.memory_space<hbm>>) target_semaphore(%arg11 : memref<!tpu.dma_semaphore, #tpu.memory_space<semaphore_mem>>)
        }
        %scan3A_487 = arith.constant 25 : i32
      } else {
      }
      %add3A_362 = arith.constant 6400 : i32
      %add3A_363 = arith.addi %multiple_of3A, %add3A_362 : i32
      %ge3A_364 = arith.constant 75 : i32
      %ge3A_365 = arith.cmpi sge, %get3A_323, %ge3A_364 : i32
      %convert_element_type3A_366 = arith.extui %ge3A_365 : i1 to i32
      %cond3A_367 = arith.constant 0 : i32
      %cond3A_368 = arith.cmpi ne, %convert_element_type3A_366, %cond3A_367 : i32
      scf.if %cond3A_368 {
        %dma_start3A_482 = arith.constant 6528 : i32
        %dma_start3A_483 = tpu.memref_slice %arg9[%dma_start3A_482] : memref<25728xf32, #tpu.memory_space<vmem>> -> memref<3200xf32, #tpu.memory_space<vmem>>
        %dma_start3A_484 = tpu.memref_slice %arg4[%add3A_363] : memref<26214400xf32, #tpu.memory_space<hbm>> -> memref<3200xf32, #tpu.memory_space<hbm>>
        %dma_start3A_485 = tpu.memref_slice %arg4[%add3A_363] : memref<26214400xf32, #tpu.memory_space<hbm>> -> memref<3200xf32, #tpu.memory_space<hbm>>
        %dma_start3A_486 = arith.constant 6528 : i32
        %dma_start3A_487 = tpu.memref_slice %arg9[%dma_start3A_486] : memref<25728xf32, #tpu.memory_space<vmem>> -> memref<3200xf32, #tpu.memory_space<vmem>>
        tpu.enqueue_dma source(%dma_start3A_487 : memref<3200xf32, #tpu.memory_space<vmem>>) target(%dma_start3A_485 : memref<3200xf32, #tpu.memory_space<hbm>>) target_semaphore(%arg11 : memref<!tpu.dma_semaphore, #tpu.memory_space<semaphore_mem>>)
      } else {
      }
      %le3A_369 = arith.constant 50 : i32
      %le3A_370 = arith.cmpi sle, %get3A_323, %le3A_369 : i32
      %convert_element_type3A_371 = arith.extui %le3A_370 : i1 to i32
      %cond3A_372 = arith.constant 0 : i32
      %cond3A_373 = arith.cmpi ne, %convert_element_type3A_371, %cond3A_372 : i32
      scf.if %cond3A_373 {
        %dma_start3A_482 = tpu.memref_slice %arg4[%add3A_363] : memref<26214400xf32, #tpu.memory_space<hbm>> -> memref<3200xf32, #tpu.memory_space<hbm>>
        %dma_start3A_483 = tpu.memref_slice %arg4[%add3A_363] : memref<26214400xf32, #tpu.memory_space<hbm>> -> memref<3200xf32, #tpu.memory_space<hbm>>
        tpu.enqueue_dma source(%arg10 : memref<3200xf32, #tpu.memory_space<vmem>>) target(%dma_start3A_483 : memref<3200xf32, #tpu.memory_space<hbm>>) target_semaphore(%arg11 : memref<!tpu.dma_semaphore, #tpu.memory_space<semaphore_mem>>)
      } else {
      }
      %gt3A_374 = arith.constant 50 : i32
      %gt3A_375 = arith.cmpi sgt, %get3A_323, %gt3A_374 : i32
      %lt3A_376 = arith.constant 75 : i32
      %lt3A_377 = arith.cmpi slt, %get3A_323, %lt3A_376 : i32
      %and3A_378 = arith.andi %gt3A_375, %lt3A_377 : i1
      %convert_element_type3A_379 = arith.extui %and3A_378 : i1 to i32
      %cond3A_380 = arith.constant 0 : i32
      %cond3A_381 = arith.cmpi ne, %convert_element_type3A_379, %cond3A_380 : i32
      scf.if %cond3A_381 {
        %scan3A_482 = arith.constant 0 : i32
        %scan3A_483 = arith.constant 0 : i32
        %scan3A_484 = arith.constant 25 : i32
        %scan3A_485 = arith.addi %scan3A_483, %scan3A_484 : i32
        %scan3A_486 = arith.constant 1 : i32
        scf.for %scan3A_488 = %scan3A_483 to %scan3A_485 step %scan3A_486  : i32 {
          %add3A_489 = arith.constant 50 : i32
          %add3A_490 = arith.addi %add3A_489, %scan3A_488 : i32
          %lt3A_491 = arith.cmpi slt, %add3A_490, %get3A_323 : i32
          %add3A_492 = arith.constant 50 : i32
          %add3A_493 = arith.addi %add3A_492, %scan3A_488 : i32
          %add3A_494 = arith.constant 1 : i32
          %add3A_495 = arith.addi %add3A_493, %add3A_494 : i32
          %jit3A = arith.constant 0 : i32
          %select_n3A = arith.select %lt3A_491, %add3A_495, %jit3A : i32
          %mul3A_496 = arith.constant 128 : i32
          %mul3A_497 = arith.muli %select_n3A, %mul3A_496 : i32
          %multiple_of3A_498 = tpu.assume_multiple %mul3A_497, 128 : i32
          %add3A_499 = arith.constant 50 : i32
          %add3A_500 = arith.addi %add3A_499, %scan3A_488 : i32
          %mul3A_501 = arith.constant 128 : i32
          %mul3A_502 = arith.muli %add3A_500, %mul3A_501 : i32
          %add3A_503 = arith.addi %multiple_of3A, %mul3A_502 : i32
          %multiple_of3A_504 = tpu.assume_multiple %add3A_503, 128 : i32
          %dma_start3A_505 = tpu.memref_slice %arg9[%multiple_of3A_498] : memref<25728xf32, #tpu.memory_space<vmem>> -> memref<128xf32, #tpu.memory_space<vmem>>
          %dma_start3A_506 = tpu.memref_slice %arg4[%multiple_of3A_504] : memref<26214400xf32, #tpu.memory_space<hbm>> -> memref<128xf32, #tpu.memory_space<hbm>>
          %dma_start3A_507 = tpu.memref_slice %arg4[%multiple_of3A_504] : memref<26214400xf32, #tpu.memory_space<hbm>> -> memref<128xf32, #tpu.memory_space<hbm>>
          %dma_start3A_508 = tpu.memref_slice %arg9[%multiple_of3A_498] : memref<25728xf32, #tpu.memory_space<vmem>> -> memref<128xf32, #tpu.memory_space<vmem>>
          tpu.enqueue_dma source(%dma_start3A_508 : memref<128xf32, #tpu.memory_space<vmem>>) target(%dma_start3A_507 : memref<128xf32, #tpu.memory_space<hbm>>) target_semaphore(%arg11 : memref<!tpu.dma_semaphore, #tpu.memory_space<semaphore_mem>>)
        }
        %scan3A_487 = arith.constant 25 : i32
      } else {
      }
      %add3A_382 = arith.constant 9600 : i32
      %add3A_383 = arith.addi %multiple_of3A, %add3A_382 : i32
      %ge3A_384 = arith.constant 100 : i32
      %ge3A_385 = arith.cmpi sge, %get3A_323, %ge3A_384 : i32
      %convert_element_type3A_386 = arith.extui %ge3A_385 : i1 to i32
      %cond3A_387 = arith.constant 0 : i32
      %cond3A_388 = arith.cmpi ne, %convert_element_type3A_386, %cond3A_387 : i32
      scf.if %cond3A_388 {
        %dma_start3A_482 = arith.constant 9728 : i32
        %dma_start3A_483 = tpu.memref_slice %arg9[%dma_start3A_482] : memref<25728xf32, #tpu.memory_space<vmem>> -> memref<3200xf32, #tpu.memory_space<vmem>>
        %dma_start3A_484 = tpu.memref_slice %arg4[%add3A_383] : memref<26214400xf32, #tpu.memory_space<hbm>> -> memref<3200xf32, #tpu.memory_space<hbm>>
        %dma_start3A_485 = tpu.memref_slice %arg4[%add3A_383] : memref<26214400xf32, #tpu.memory_space<hbm>> -> memref<3200xf32, #tpu.memory_space<hbm>>
        %dma_start3A_486 = arith.constant 9728 : i32
        %dma_start3A_487 = tpu.memref_slice %arg9[%dma_start3A_486] : memref<25728xf32, #tpu.memory_space<vmem>> -> memref<3200xf32, #tpu.memory_space<vmem>>
        tpu.enqueue_dma source(%dma_start3A_487 : memref<3200xf32, #tpu.memory_space<vmem>>) target(%dma_start3A_485 : memref<3200xf32, #tpu.memory_space<hbm>>) target_semaphore(%arg11 : memref<!tpu.dma_semaphore, #tpu.memory_space<semaphore_mem>>)
      } else {
      }
      %le3A_389 = arith.constant 75 : i32
      %le3A_390 = arith.cmpi sle, %get3A_323, %le3A_389 : i32
      %convert_element_type3A_391 = arith.extui %le3A_390 : i1 to i32
      %cond3A_392 = arith.constant 0 : i32
      %cond3A_393 = arith.cmpi ne, %convert_element_type3A_391, %cond3A_392 : i32
      scf.if %cond3A_393 {
        %dma_start3A_482 = tpu.memref_slice %arg4[%add3A_383] : memref<26214400xf32, #tpu.memory_space<hbm>> -> memref<3200xf32, #tpu.memory_space<hbm>>
        %dma_start3A_483 = tpu.memref_slice %arg4[%add3A_383] : memref<26214400xf32, #tpu.memory_space<hbm>> -> memref<3200xf32, #tpu.memory_space<hbm>>
        tpu.enqueue_dma source(%arg10 : memref<3200xf32, #tpu.memory_space<vmem>>) target(%dma_start3A_483 : memref<3200xf32, #tpu.memory_space<hbm>>) target_semaphore(%arg11 : memref<!tpu.dma_semaphore, #tpu.memory_space<semaphore_mem>>)
      } else {
      }
      %gt3A_394 = arith.constant 75 : i32
      %gt3A_395 = arith.cmpi sgt, %get3A_323, %gt3A_394 : i32
      %lt3A_396 = arith.constant 100 : i32
      %lt3A_397 = arith.cmpi slt, %get3A_323, %lt3A_396 : i32
      %and3A_398 = arith.andi %gt3A_395, %lt3A_397 : i1
      %convert_element_type3A_399 = arith.extui %and3A_398 : i1 to i32
      %cond3A_400 = arith.constant 0 : i32
      %cond3A_401 = arith.cmpi ne, %convert_element_type3A_399, %cond3A_400 : i32
      scf.if %cond3A_401 {
        %scan3A_482 = arith.constant 0 : i32
        %scan3A_483 = arith.constant 0 : i32
        %scan3A_484 = arith.constant 25 : i32
        %scan3A_485 = arith.addi %scan3A_483, %scan3A_484 : i32
        %scan3A_486 = arith.constant 1 : i32
        scf.for %scan3A_488 = %scan3A_483 to %scan3A_485 step %scan3A_486  : i32 {
          %add3A_489 = arith.constant 75 : i32
          %add3A_490 = arith.addi %add3A_489, %scan3A_488 : i32
          %lt3A_491 = arith.cmpi slt, %add3A_490, %get3A_323 : i32
          %add3A_492 = arith.constant 75 : i32
          %add3A_493 = arith.addi %add3A_492, %scan3A_488 : i32
          %add3A_494 = arith.constant 1 : i32
          %add3A_495 = arith.addi %add3A_493, %add3A_494 : i32
          %jit3A = arith.constant 0 : i32
          %select_n3A = arith.select %lt3A_491, %add3A_495, %jit3A : i32
          %mul3A_496 = arith.constant 128 : i32
          %mul3A_497 = arith.muli %select_n3A, %mul3A_496 : i32
          %multiple_of3A_498 = tpu.assume_multiple %mul3A_497, 128 : i32
          %add3A_499 = arith.constant 75 : i32
          %add3A_500 = arith.addi %add3A_499, %scan3A_488 : i32
          %mul3A_501 = arith.constant 128 : i32
          %mul3A_502 = arith.muli %add3A_500, %mul3A_501 : i32
          %add3A_503 = arith.addi %multiple_of3A, %mul3A_502 : i32
          %multiple_of3A_504 = tpu.assume_multiple %add3A_503, 128 : i32
          %dma_start3A_505 = tpu.memref_slice %arg9[%multiple_of3A_498] : memref<25728xf32, #tpu.memory_space<vmem>> -> memref<128xf32, #tpu.memory_space<vmem>>
          %dma_start3A_506 = tpu.memref_slice %arg4[%multiple_of3A_504] : memref<26214400xf32, #tpu.memory_space<hbm>> -> memref<128xf32, #tpu.memory_space<hbm>>
          %dma_start3A_507 = tpu.memref_slice %arg4[%multiple_of3A_504] : memref<26214400xf32, #tpu.memory_space<hbm>> -> memref<128xf32, #tpu.memory_space<hbm>>
          %dma_start3A_508 = tpu.memref_slice %arg9[%multiple_of3A_498] : memref<25728xf32, #tpu.memory_space<vmem>> -> memref<128xf32, #tpu.memory_space<vmem>>
          tpu.enqueue_dma source(%dma_start3A_508 : memref<128xf32, #tpu.memory_space<vmem>>) target(%dma_start3A_507 : memref<128xf32, #tpu.memory_space<hbm>>) target_semaphore(%arg11 : memref<!tpu.dma_semaphore, #tpu.memory_space<semaphore_mem>>)
        }
        %scan3A_487 = arith.constant 25 : i32
      } else {
      }
      %add3A_402 = arith.constant 12800 : i32
      %add3A_403 = arith.addi %multiple_of3A, %add3A_402 : i32
      %ge3A_404 = arith.constant 125 : i32
      %ge3A_405 = arith.cmpi sge, %get3A_323, %ge3A_404 : i32
      %convert_element_type3A_406 = arith.extui %ge3A_405 : i1 to i32
      %cond3A_407 = arith.constant 0 : i32
      %cond3A_408 = arith.cmpi ne, %convert_element_type3A_406, %cond3A_407 : i32
      scf.if %cond3A_408 {
        %dma_start3A_482 = arith.constant 12928 : i32
        %dma_start3A_483 = tpu.memref_slice %arg9[%dma_start3A_482] : memref<25728xf32, #tpu.memory_space<vmem>> -> memref<3200xf32, #tpu.memory_space<vmem>>
        %dma_start3A_484 = tpu.memref_slice %arg4[%add3A_403] : memref<26214400xf32, #tpu.memory_space<hbm>> -> memref<3200xf32, #tpu.memory_space<hbm>>
        %dma_start3A_485 = tpu.memref_slice %arg4[%add3A_403] : memref<26214400xf32, #tpu.memory_space<hbm>> -> memref<3200xf32, #tpu.memory_space<hbm>>
        %dma_start3A_486 = arith.constant 12928 : i32
        %dma_start3A_487 = tpu.memref_slice %arg9[%dma_start3A_486] : memref<25728xf32, #tpu.memory_space<vmem>> -> memref<3200xf32, #tpu.memory_space<vmem>>
        tpu.enqueue_dma source(%dma_start3A_487 : memref<3200xf32, #tpu.memory_space<vmem>>) target(%dma_start3A_485 : memref<3200xf32, #tpu.memory_space<hbm>>) target_semaphore(%arg11 : memref<!tpu.dma_semaphore, #tpu.memory_space<semaphore_mem>>)
      } else {
      }
      %le3A_409 = arith.constant 100 : i32
      %le3A_410 = arith.cmpi sle, %get3A_323, %le3A_409 : i32
      %convert_element_type3A_411 = arith.extui %le3A_410 : i1 to i32
      %cond3A_412 = arith.constant 0 : i32
      %cond3A_413 = arith.cmpi ne, %convert_element_type3A_411, %cond3A_412 : i32
      scf.if %cond3A_413 {
        %dma_start3A_482 = tpu.memref_slice %arg4[%add3A_403] : memref<26214400xf32, #tpu.memory_space<hbm>> -> memref<3200xf32, #tpu.memory_space<hbm>>
        %dma_start3A_483 = tpu.memref_slice %arg4[%add3A_403] : memref<26214400xf32, #tpu.memory_space<hbm>> -> memref<3200xf32, #tpu.memory_space<hbm>>
        tpu.enqueue_dma source(%arg10 : memref<3200xf32, #tpu.memory_space<vmem>>) target(%dma_start3A_483 : memref<3200xf32, #tpu.memory_space<hbm>>) target_semaphore(%arg11 : memref<!tpu.dma_semaphore, #tpu.memory_space<semaphore_mem>>)
      } else {
      }
      %gt3A_414 = arith.constant 100 : i32
      %gt3A_415 = arith.cmpi sgt, %get3A_323, %gt3A_414 : i32
      %lt3A_416 = arith.constant 125 : i32
      %lt3A_417 = arith.cmpi slt, %get3A_323, %lt3A_416 : i32
      %and3A_418 = arith.andi %gt3A_415, %lt3A_417 : i1
      %convert_element_type3A_419 = arith.extui %and3A_418 : i1 to i32
      %cond3A_420 = arith.constant 0 : i32
      %cond3A_421 = arith.cmpi ne, %convert_element_type3A_419, %cond3A_420 : i32
      scf.if %cond3A_421 {
        %scan3A_482 = arith.constant 0 : i32
        %scan3A_483 = arith.constant 0 : i32
        %scan3A_484 = arith.constant 25 : i32
        %scan3A_485 = arith.addi %scan3A_483, %scan3A_484 : i32
        %scan3A_486 = arith.constant 1 : i32
        scf.for %scan3A_488 = %scan3A_483 to %scan3A_485 step %scan3A_486  : i32 {
          %add3A_489 = arith.constant 100 : i32
          %add3A_490 = arith.addi %add3A_489, %scan3A_488 : i32
          %lt3A_491 = arith.cmpi slt, %add3A_490, %get3A_323 : i32
          %add3A_492 = arith.constant 100 : i32
          %add3A_493 = arith.addi %add3A_492, %scan3A_488 : i32
          %add3A_494 = arith.constant 1 : i32
          %add3A_495 = arith.addi %add3A_493, %add3A_494 : i32
          %jit3A = arith.constant 0 : i32
          %select_n3A = arith.select %lt3A_491, %add3A_495, %jit3A : i32
          %mul3A_496 = arith.constant 128 : i32
          %mul3A_497 = arith.muli %select_n3A, %mul3A_496 : i32
          %multiple_of3A_498 = tpu.assume_multiple %mul3A_497, 128 : i32
          %add3A_499 = arith.constant 100 : i32
          %add3A_500 = arith.addi %add3A_499, %scan3A_488 : i32
          %mul3A_501 = arith.constant 128 : i32
          %mul3A_502 = arith.muli %add3A_500, %mul3A_501 : i32
          %add3A_503 = arith.addi %multiple_of3A, %mul3A_502 : i32
          %multiple_of3A_504 = tpu.assume_multiple %add3A_503, 128 : i32
          %dma_start3A_505 = tpu.memref_slice %arg9[%multiple_of3A_498] : memref<25728xf32, #tpu.memory_space<vmem>> -> memref<128xf32, #tpu.memory_space<vmem>>
          %dma_start3A_506 = tpu.memref_slice %arg4[%multiple_of3A_504] : memref<26214400xf32, #tpu.memory_space<hbm>> -> memref<128xf32, #tpu.memory_space<hbm>>
          %dma_start3A_507 = tpu.memref_slice %arg4[%multiple_of3A_504] : memref<26214400xf32, #tpu.memory_space<hbm>> -> memref<128xf32, #tpu.memory_space<hbm>>
          %dma_start3A_508 = tpu.memref_slice %arg9[%multiple_of3A_498] : memref<25728xf32, #tpu.memory_space<vmem>> -> memref<128xf32, #tpu.memory_space<vmem>>
          tpu.enqueue_dma source(%dma_start3A_508 : memref<128xf32, #tpu.memory_space<vmem>>) target(%dma_start3A_507 : memref<128xf32, #tpu.memory_space<hbm>>) target_semaphore(%arg11 : memref<!tpu.dma_semaphore, #tpu.memory_space<semaphore_mem>>)
        }
        %scan3A_487 = arith.constant 25 : i32
      } else {
      }
      %add3A_422 = arith.constant 16000 : i32
      %add3A_423 = arith.addi %multiple_of3A, %add3A_422 : i32
      %ge3A_424 = arith.constant 150 : i32
      %ge3A_425 = arith.cmpi sge, %get3A_323, %ge3A_424 : i32
      %convert_element_type3A_426 = arith.extui %ge3A_425 : i1 to i32
      %cond3A_427 = arith.constant 0 : i32
      %cond3A_428 = arith.cmpi ne, %convert_element_type3A_426, %cond3A_427 : i32
      scf.if %cond3A_428 {
        %dma_start3A_482 = arith.constant 16128 : i32
        %dma_start3A_483 = tpu.memref_slice %arg9[%dma_start3A_482] : memref<25728xf32, #tpu.memory_space<vmem>> -> memref<3200xf32, #tpu.memory_space<vmem>>
        %dma_start3A_484 = tpu.memref_slice %arg4[%add3A_423] : memref<26214400xf32, #tpu.memory_space<hbm>> -> memref<3200xf32, #tpu.memory_space<hbm>>
        %dma_start3A_485 = tpu.memref_slice %arg4[%add3A_423] : memref<26214400xf32, #tpu.memory_space<hbm>> -> memref<3200xf32, #tpu.memory_space<hbm>>
        %dma_start3A_486 = arith.constant 16128 : i32
        %dma_start3A_487 = tpu.memref_slice %arg9[%dma_start3A_486] : memref<25728xf32, #tpu.memory_space<vmem>> -> memref<3200xf32, #tpu.memory_space<vmem>>
        tpu.enqueue_dma source(%dma_start3A_487 : memref<3200xf32, #tpu.memory_space<vmem>>) target(%dma_start3A_485 : memref<3200xf32, #tpu.memory_space<hbm>>) target_semaphore(%arg11 : memref<!tpu.dma_semaphore, #tpu.memory_space<semaphore_mem>>)
      } else {
      }
      %le3A_429 = arith.constant 125 : i32
      %le3A_430 = arith.cmpi sle, %get3A_323, %le3A_429 : i32
      %convert_element_type3A_431 = arith.extui %le3A_430 : i1 to i32
      %cond3A_432 = arith.constant 0 : i32
      %cond3A_433 = arith.cmpi ne, %convert_element_type3A_431, %cond3A_432 : i32
      scf.if %cond3A_433 {
        %dma_start3A_482 = tpu.memref_slice %arg4[%add3A_423] : memref<26214400xf32, #tpu.memory_space<hbm>> -> memref<3200xf32, #tpu.memory_space<hbm>>
        %dma_start3A_483 = tpu.memref_slice %arg4[%add3A_423] : memref<26214400xf32, #tpu.memory_space<hbm>> -> memref<3200xf32, #tpu.memory_space<hbm>>
        tpu.enqueue_dma source(%arg10 : memref<3200xf32, #tpu.memory_space<vmem>>) target(%dma_start3A_483 : memref<3200xf32, #tpu.memory_space<hbm>>) target_semaphore(%arg11 : memref<!tpu.dma_semaphore, #tpu.memory_space<semaphore_mem>>)
      } else {
      }
      %gt3A_434 = arith.constant 125 : i32
      %gt3A_435 = arith.cmpi sgt, %get3A_323, %gt3A_434 : i32
      %lt3A_436 = arith.constant 150 : i32
      %lt3A_437 = arith.cmpi slt, %get3A_323, %lt3A_436 : i32
      %and3A_438 = arith.andi %gt3A_435, %lt3A_437 : i1
      %convert_element_type3A_439 = arith.extui %and3A_438 : i1 to i32
      %cond3A_440 = arith.constant 0 : i32
      %cond3A_441 = arith.cmpi ne, %convert_element_type3A_439, %cond3A_440 : i32
      scf.if %cond3A_441 {
        %scan3A_482 = arith.constant 0 : i32
        %scan3A_483 = arith.constant 0 : i32
        %scan3A_484 = arith.constant 25 : i32
        %scan3A_485 = arith.addi %scan3A_483, %scan3A_484 : i32
        %scan3A_486 = arith.constant 1 : i32
        scf.for %scan3A_488 = %scan3A_483 to %scan3A_485 step %scan3A_486  : i32 {
          %add3A_489 = arith.constant 125 : i32
          %add3A_490 = arith.addi %add3A_489, %scan3A_488 : i32
          %lt3A_491 = arith.cmpi slt, %add3A_490, %get3A_323 : i32
          %add3A_492 = arith.constant 125 : i32
          %add3A_493 = arith.addi %add3A_492, %scan3A_488 : i32
          %add3A_494 = arith.constant 1 : i32
          %add3A_495 = arith.addi %add3A_493, %add3A_494 : i32
          %jit3A = arith.constant 0 : i32
          %select_n3A = arith.select %lt3A_491, %add3A_495, %jit3A : i32
          %mul3A_496 = arith.constant 128 : i32
          %mul3A_497 = arith.muli %select_n3A, %mul3A_496 : i32
          %multiple_of3A_498 = tpu.assume_multiple %mul3A_497, 128 : i32
          %add3A_499 = arith.constant 125 : i32
          %add3A_500 = arith.addi %add3A_499, %scan3A_488 : i32
          %mul3A_501 = arith.constant 128 : i32
          %mul3A_502 = arith.muli %add3A_500, %mul3A_501 : i32
          %add3A_503 = arith.addi %multiple_of3A, %mul3A_502 : i32
          %multiple_of3A_504 = tpu.assume_multiple %add3A_503, 128 : i32
          %dma_start3A_505 = tpu.memref_slice %arg9[%multiple_of3A_498] : memref<25728xf32, #tpu.memory_space<vmem>> -> memref<128xf32, #tpu.memory_space<vmem>>
          %dma_start3A_506 = tpu.memref_slice %arg4[%multiple_of3A_504] : memref<26214400xf32, #tpu.memory_space<hbm>> -> memref<128xf32, #tpu.memory_space<hbm>>
          %dma_start3A_507 = tpu.memref_slice %arg4[%multiple_of3A_504] : memref<26214400xf32, #tpu.memory_space<hbm>> -> memref<128xf32, #tpu.memory_space<hbm>>
          %dma_start3A_508 = tpu.memref_slice %arg9[%multiple_of3A_498] : memref<25728xf32, #tpu.memory_space<vmem>> -> memref<128xf32, #tpu.memory_space<vmem>>
          tpu.enqueue_dma source(%dma_start3A_508 : memref<128xf32, #tpu.memory_space<vmem>>) target(%dma_start3A_507 : memref<128xf32, #tpu.memory_space<hbm>>) target_semaphore(%arg11 : memref<!tpu.dma_semaphore, #tpu.memory_space<semaphore_mem>>)
        }
        %scan3A_487 = arith.constant 25 : i32
      } else {
      }
      %add3A_442 = arith.constant 19200 : i32
      %add3A_443 = arith.addi %multiple_of3A, %add3A_442 : i32
      %ge3A_444 = arith.constant 175 : i32
      %ge3A_445 = arith.cmpi sge, %get3A_323, %ge3A_444 : i32
      %convert_element_type3A_446 = arith.extui %ge3A_445 : i1 to i32
      %cond3A_447 = arith.constant 0 : i32
      %cond3A_448 = arith.cmpi ne, %convert_element_type3A_446, %cond3A_447 : i32
      scf.if %cond3A_448 {
        %dma_start3A_482 = arith.constant 19328 : i32
        %dma_start3A_483 = tpu.memref_slice %arg9[%dma_start3A_482] : memref<25728xf32, #tpu.memory_space<vmem>> -> memref<3200xf32, #tpu.memory_space<vmem>>
        %dma_start3A_484 = tpu.memref_slice %arg4[%add3A_443] : memref<26214400xf32, #tpu.memory_space<hbm>> -> memref<3200xf32, #tpu.memory_space<hbm>>
        %dma_start3A_485 = tpu.memref_slice %arg4[%add3A_443] : memref<26214400xf32, #tpu.memory_space<hbm>> -> memref<3200xf32, #tpu.memory_space<hbm>>
        %dma_start3A_486 = arith.constant 19328 : i32
        %dma_start3A_487 = tpu.memref_slice %arg9[%dma_start3A_486] : memref<25728xf32, #tpu.memory_space<vmem>> -> memref<3200xf32, #tpu.memory_space<vmem>>
        tpu.enqueue_dma source(%dma_start3A_487 : memref<3200xf32, #tpu.memory_space<vmem>>) target(%dma_start3A_485 : memref<3200xf32, #tpu.memory_space<hbm>>) target_semaphore(%arg11 : memref<!tpu.dma_semaphore, #tpu.memory_space<semaphore_mem>>)
      } else {
      }
      %le3A_449 = arith.constant 150 : i32
      %le3A_450 = arith.cmpi sle, %get3A_323, %le3A_449 : i32
      %convert_element_type3A_451 = arith.extui %le3A_450 : i1 to i32
      %cond3A_452 = arith.constant 0 : i32
      %cond3A_453 = arith.cmpi ne, %convert_element_type3A_451, %cond3A_452 : i32
      scf.if %cond3A_453 {
        %dma_start3A_482 = tpu.memref_slice %arg4[%add3A_443] : memref<26214400xf32, #tpu.memory_space<hbm>> -> memref<3200xf32, #tpu.memory_space<hbm>>
        %dma_start3A_483 = tpu.memref_slice %arg4[%add3A_443] : memref<26214400xf32, #tpu.memory_space<hbm>> -> memref<3200xf32, #tpu.memory_space<hbm>>
        tpu.enqueue_dma source(%arg10 : memref<3200xf32, #tpu.memory_space<vmem>>) target(%dma_start3A_483 : memref<3200xf32, #tpu.memory_space<hbm>>) target_semaphore(%arg11 : memref<!tpu.dma_semaphore, #tpu.memory_space<semaphore_mem>>)
      } else {
      }
      %gt3A_454 = arith.constant 150 : i32
      %gt3A_455 = arith.cmpi sgt, %get3A_323, %gt3A_454 : i32
      %lt3A_456 = arith.constant 175 : i32
      %lt3A_457 = arith.cmpi slt, %get3A_323, %lt3A_456 : i32
      %and3A_458 = arith.andi %gt3A_455, %lt3A_457 : i1
      %convert_element_type3A_459 = arith.extui %and3A_458 : i1 to i32
      %cond3A_460 = arith.constant 0 : i32
      %cond3A_461 = arith.cmpi ne, %convert_element_type3A_459, %cond3A_460 : i32
      scf.if %cond3A_461 {
        %scan3A_482 = arith.constant 0 : i32
        %scan3A_483 = arith.constant 0 : i32
        %scan3A_484 = arith.constant 25 : i32
        %scan3A_485 = arith.addi %scan3A_483, %scan3A_484 : i32
        %scan3A_486 = arith.constant 1 : i32
        scf.for %scan3A_488 = %scan3A_483 to %scan3A_485 step %scan3A_486  : i32 {
          %add3A_489 = arith.constant 150 : i32
          %add3A_490 = arith.addi %add3A_489, %scan3A_488 : i32
          %lt3A_491 = arith.cmpi slt, %add3A_490, %get3A_323 : i32
          %add3A_492 = arith.constant 150 : i32
          %add3A_493 = arith.addi %add3A_492, %scan3A_488 : i32
          %add3A_494 = arith.constant 1 : i32
          %add3A_495 = arith.addi %add3A_493, %add3A_494 : i32
          %jit3A = arith.constant 0 : i32
          %select_n3A = arith.select %lt3A_491, %add3A_495, %jit3A : i32
          %mul3A_496 = arith.constant 128 : i32
          %mul3A_497 = arith.muli %select_n3A, %mul3A_496 : i32
          %multiple_of3A_498 = tpu.assume_multiple %mul3A_497, 128 : i32
          %add3A_499 = arith.constant 150 : i32
          %add3A_500 = arith.addi %add3A_499, %scan3A_488 : i32
          %mul3A_501 = arith.constant 128 : i32
          %mul3A_502 = arith.muli %add3A_500, %mul3A_501 : i32
          %add3A_503 = arith.addi %multiple_of3A, %mul3A_502 : i32
          %multiple_of3A_504 = tpu.assume_multiple %add3A_503, 128 : i32
          %dma_start3A_505 = tpu.memref_slice %arg9[%multiple_of3A_498] : memref<25728xf32, #tpu.memory_space<vmem>> -> memref<128xf32, #tpu.memory_space<vmem>>
          %dma_start3A_506 = tpu.memref_slice %arg4[%multiple_of3A_504] : memref<26214400xf32, #tpu.memory_space<hbm>> -> memref<128xf32, #tpu.memory_space<hbm>>
          %dma_start3A_507 = tpu.memref_slice %arg4[%multiple_of3A_504] : memref<26214400xf32, #tpu.memory_space<hbm>> -> memref<128xf32, #tpu.memory_space<hbm>>
          %dma_start3A_508 = tpu.memref_slice %arg9[%multiple_of3A_498] : memref<25728xf32, #tpu.memory_space<vmem>> -> memref<128xf32, #tpu.memory_space<vmem>>
          tpu.enqueue_dma source(%dma_start3A_508 : memref<128xf32, #tpu.memory_space<vmem>>) target(%dma_start3A_507 : memref<128xf32, #tpu.memory_space<hbm>>) target_semaphore(%arg11 : memref<!tpu.dma_semaphore, #tpu.memory_space<semaphore_mem>>)
        }
        %scan3A_487 = arith.constant 25 : i32
      } else {
      }
      %add3A_462 = arith.constant 22400 : i32
      %add3A_463 = arith.addi %multiple_of3A, %add3A_462 : i32
      %ge3A_464 = arith.constant 200 : i32
      %ge3A_465 = arith.cmpi sge, %get3A_323, %ge3A_464 : i32
      %convert_element_type3A_466 = arith.extui %ge3A_465 : i1 to i32
      %cond3A_467 = arith.constant 0 : i32
      %cond3A_468 = arith.cmpi ne, %convert_element_type3A_466, %cond3A_467 : i32
      scf.if %cond3A_468 {
        %dma_start3A_482 = arith.constant 22528 : i32
        %dma_start3A_483 = tpu.memref_slice %arg9[%dma_start3A_482] : memref<25728xf32, #tpu.memory_space<vmem>> -> memref<3200xf32, #tpu.memory_space<vmem>>
        %dma_start3A_484 = tpu.memref_slice %arg4[%add3A_463] : memref<26214400xf32, #tpu.memory_space<hbm>> -> memref<3200xf32, #tpu.memory_space<hbm>>
        %dma_start3A_485 = tpu.memref_slice %arg4[%add3A_463] : memref<26214400xf32, #tpu.memory_space<hbm>> -> memref<3200xf32, #tpu.memory_space<hbm>>
        %dma_start3A_486 = arith.constant 22528 : i32
        %dma_start3A_487 = tpu.memref_slice %arg9[%dma_start3A_486] : memref<25728xf32, #tpu.memory_space<vmem>> -> memref<3200xf32, #tpu.memory_space<vmem>>
        tpu.enqueue_dma source(%dma_start3A_487 : memref<3200xf32, #tpu.memory_space<vmem>>) target(%dma_start3A_485 : memref<3200xf32, #tpu.memory_space<hbm>>) target_semaphore(%arg11 : memref<!tpu.dma_semaphore, #tpu.memory_space<semaphore_mem>>)
      } else {
      }
      %le3A_469 = arith.constant 175 : i32
      %le3A_470 = arith.cmpi sle, %get3A_323, %le3A_469 : i32
      %convert_element_type3A_471 = arith.extui %le3A_470 : i1 to i32
      %cond3A_472 = arith.constant 0 : i32
      %cond3A_473 = arith.cmpi ne, %convert_element_type3A_471, %cond3A_472 : i32
      scf.if %cond3A_473 {
        %dma_start3A_482 = tpu.memref_slice %arg4[%add3A_463] : memref<26214400xf32, #tpu.memory_space<hbm>> -> memref<3200xf32, #tpu.memory_space<hbm>>
        %dma_start3A_483 = tpu.memref_slice %arg4[%add3A_463] : memref<26214400xf32, #tpu.memory_space<hbm>> -> memref<3200xf32, #tpu.memory_space<hbm>>
        tpu.enqueue_dma source(%arg10 : memref<3200xf32, #tpu.memory_space<vmem>>) target(%dma_start3A_483 : memref<3200xf32, #tpu.memory_space<hbm>>) target_semaphore(%arg11 : memref<!tpu.dma_semaphore, #tpu.memory_space<semaphore_mem>>)
      } else {
      }
      %gt3A_474 = arith.constant 175 : i32
      %gt3A_475 = arith.cmpi sgt, %get3A_323, %gt3A_474 : i32
      %lt3A_476 = arith.constant 200 : i32
      %lt3A_477 = arith.cmpi slt, %get3A_323, %lt3A_476 : i32
      %and3A_478 = arith.andi %gt3A_475, %lt3A_477 : i1
      %convert_element_type3A_479 = arith.extui %and3A_478 : i1 to i32
      %cond3A_480 = arith.constant 0 : i32
      %cond3A_481 = arith.cmpi ne, %convert_element_type3A_479, %cond3A_480 : i32
      scf.if %cond3A_481 {
        %scan3A_482 = arith.constant 0 : i32
        %scan3A_483 = arith.constant 0 : i32
        %scan3A_484 = arith.constant 25 : i32
        %scan3A_485 = arith.addi %scan3A_483, %scan3A_484 : i32
        %scan3A_486 = arith.constant 1 : i32
        scf.for %scan3A_488 = %scan3A_483 to %scan3A_485 step %scan3A_486  : i32 {
          %add3A_489 = arith.constant 175 : i32
          %add3A_490 = arith.addi %add3A_489, %scan3A_488 : i32
          %lt3A_491 = arith.cmpi slt, %add3A_490, %get3A_323 : i32
          %add3A_492 = arith.constant 175 : i32
          %add3A_493 = arith.addi %add3A_492, %scan3A_488 : i32
          %add3A_494 = arith.constant 1 : i32
          %add3A_495 = arith.addi %add3A_493, %add3A_494 : i32
          %jit3A = arith.constant 0 : i32
          %select_n3A = arith.select %lt3A_491, %add3A_495, %jit3A : i32
          %mul3A_496 = arith.constant 128 : i32
          %mul3A_497 = arith.muli %select_n3A, %mul3A_496 : i32
          %multiple_of3A_498 = tpu.assume_multiple %mul3A_497, 128 : i32
          %add3A_499 = arith.constant 175 : i32
          %add3A_500 = arith.addi %add3A_499, %scan3A_488 : i32
          %mul3A_501 = arith.constant 128 : i32
          %mul3A_502 = arith.muli %add3A_500, %mul3A_501 : i32
          %add3A_503 = arith.addi %multiple_of3A, %mul3A_502 : i32
          %multiple_of3A_504 = tpu.assume_multiple %add3A_503, 128 : i32
          %dma_start3A_505 = tpu.memref_slice %arg9[%multiple_of3A_498] : memref<25728xf32, #tpu.memory_space<vmem>> -> memref<128xf32, #tpu.memory_space<vmem>>
          %dma_start3A_506 = tpu.memref_slice %arg4[%multiple_of3A_504] : memref<26214400xf32, #tpu.memory_space<hbm>> -> memref<128xf32, #tpu.memory_space<hbm>>
          %dma_start3A_507 = tpu.memref_slice %arg4[%multiple_of3A_504] : memref<26214400xf32, #tpu.memory_space<hbm>> -> memref<128xf32, #tpu.memory_space<hbm>>
          %dma_start3A_508 = tpu.memref_slice %arg9[%multiple_of3A_498] : memref<25728xf32, #tpu.memory_space<vmem>> -> memref<128xf32, #tpu.memory_space<vmem>>
          tpu.enqueue_dma source(%dma_start3A_508 : memref<128xf32, #tpu.memory_space<vmem>>) target(%dma_start3A_507 : memref<128xf32, #tpu.memory_space<hbm>>) target_semaphore(%arg11 : memref<!tpu.dma_semaphore, #tpu.memory_space<semaphore_mem>>)
        }
        %scan3A_487 = arith.constant 25 : i32
      } else {
      }
    }
    %scan3A_178 = arith.constant 32 : i32
    %get3A_179 = arith.constant 0 : i32
    %get3A_180 = arith.index_cast %get3A_179 : i32 to index
    %get3A_181 = memref.load %arg7[%get3A_180] : memref<32xi32, #tpu.memory_space<smem>>
    %broadcast_in_dim3A_182 = vector.broadcast %get3A_181 : i32 to vector<16xi32>
    %get3A_183 = arith.constant 1 : i32
    %get3A_184 = arith.index_cast %get3A_183 : i32 to index
    %get3A_185 = memref.load %arg7[%get3A_184] : memref<32xi32, #tpu.memory_space<smem>>
    %broadcast_in_dim3A_186 = vector.broadcast %get3A_185 : i32 to vector<16xi32>
    %get3A_187 = arith.constant 2 : i32
    %get3A_188 = arith.index_cast %get3A_187 : i32 to index
    %get3A_189 = memref.load %arg7[%get3A_188] : memref<32xi32, #tpu.memory_space<smem>>
    %broadcast_in_dim3A_190 = vector.broadcast %get3A_189 : i32 to vector<16xi32>
    %get3A_191 = arith.constant 3 : i32
    %get3A_192 = arith.index_cast %get3A_191 : i32 to index
    %get3A_193 = memref.load %arg7[%get3A_192] : memref<32xi32, #tpu.memory_space<smem>>
    %broadcast_in_dim3A_194 = vector.broadcast %get3A_193 : i32 to vector<16xi32>
    %get3A_195 = arith.constant 4 : i32
    %get3A_196 = arith.index_cast %get3A_195 : i32 to index
    %get3A_197 = memref.load %arg7[%get3A_196] : memref<32xi32, #tpu.memory_space<smem>>
    %broadcast_in_dim3A_198 = vector.broadcast %get3A_197 : i32 to vector<16xi32>
    %get3A_199 = arith.constant 5 : i32
    %get3A_200 = arith.index_cast %get3A_199 : i32 to index
    %get3A_201 = memref.load %arg7[%get3A_200] : memref<32xi32, #tpu.memory_space<smem>>
    %broadcast_in_dim3A_202 = vector.broadcast %get3A_201 : i32 to vector<16xi32>
    %get3A_203 = arith.constant 6 : i32
    %get3A_204 = arith.index_cast %get3A_203 : i32 to index
    %get3A_205 = memref.load %arg7[%get3A_204] : memref<32xi32, #tpu.memory_space<smem>>
    %broadcast_in_dim3A_206 = vector.broadcast %get3A_205 : i32 to vector<16xi32>
    %get3A_207 = arith.constant 7 : i32
    %get3A_208 = arith.index_cast %get3A_207 : i32 to index
    %get3A_209 = memref.load %arg7[%get3A_208] : memref<32xi32, #tpu.memory_space<smem>>
    %broadcast_in_dim3A_210 = vector.broadcast %get3A_209 : i32 to vector<16xi32>
    %get3A_211 = arith.constant 8 : i32
    %get3A_212 = arith.index_cast %get3A_211 : i32 to index
    %get3A_213 = memref.load %arg7[%get3A_212] : memref<32xi32, #tpu.memory_space<smem>>
    %broadcast_in_dim3A_214 = vector.broadcast %get3A_213 : i32 to vector<16xi32>
    %get3A_215 = arith.constant 9 : i32
    %get3A_216 = arith.index_cast %get3A_215 : i32 to index
    %get3A_217 = memref.load %arg7[%get3A_216] : memref<32xi32, #tpu.memory_space<smem>>
    %broadcast_in_dim3A_218 = vector.broadcast %get3A_217 : i32 to vector<16xi32>
    %get3A_219 = arith.constant 10 : i32
    %get3A_220 = arith.index_cast %get3A_219 : i32 to index
    %get3A_221 = memref.load %arg7[%get3A_220] : memref<32xi32, #tpu.memory_space<smem>>
    %broadcast_in_dim3A_222 = vector.broadcast %get3A_221 : i32 to vector<16xi32>
    %get3A_223 = arith.constant 11 : i32
    %get3A_224 = arith.index_cast %get3A_223 : i32 to index
    %get3A_225 = memref.load %arg7[%get3A_224] : memref<32xi32, #tpu.memory_space<smem>>
    %broadcast_in_dim3A_226 = vector.broadcast %get3A_225 : i32 to vector<16xi32>
    %get3A_227 = arith.constant 12 : i32
    %get3A_228 = arith.index_cast %get3A_227 : i32 to index
    %get3A_229 = memref.load %arg7[%get3A_228] : memref<32xi32, #tpu.memory_space<smem>>
    %broadcast_in_dim3A_230 = vector.broadcast %get3A_229 : i32 to vector<16xi32>
    %get3A_231 = arith.constant 13 : i32
    %get3A_232 = arith.index_cast %get3A_231 : i32 to index
    %get3A_233 = memref.load %arg7[%get3A_232] : memref<32xi32, #tpu.memory_space<smem>>
    %broadcast_in_dim3A_234 = vector.broadcast %get3A_233 : i32 to vector<16xi32>
    %get3A_235 = arith.constant 14 : i32
    %get3A_236 = arith.index_cast %get3A_235 : i32 to index
    %get3A_237 = memref.load %arg7[%get3A_236] : memref<32xi32, #tpu.memory_space<smem>>
    %broadcast_in_dim3A_238 = vector.broadcast %get3A_237 : i32 to vector<16xi32>
    %get3A_239 = arith.constant 15 : i32
    %get3A_240 = arith.index_cast %get3A_239 : i32 to index
    %get3A_241 = memref.load %arg7[%get3A_240] : memref<32xi32, #tpu.memory_space<smem>>
    %broadcast_in_dim3A_242 = vector.broadcast %get3A_241 : i32 to vector<16xi32>
    %get3A_243 = arith.constant 16 : i32
    %get3A_244 = arith.index_cast %get3A_243 : i32 to index
    %get3A_245 = memref.load %arg7[%get3A_244] : memref<32xi32, #tpu.memory_space<smem>>
    %broadcast_in_dim3A_246 = vector.broadcast %get3A_245 : i32 to vector<16xi32>
    %get3A_247 = arith.constant 17 : i32
    %get3A_248 = arith.index_cast %get3A_247 : i32 to index
    %get3A_249 = memref.load %arg7[%get3A_248] : memref<32xi32, #tpu.memory_space<smem>>
    %broadcast_in_dim3A_250 = vector.broadcast %get3A_249 : i32 to vector<16xi32>
    %get3A_251 = arith.constant 18 : i32
    %get3A_252 = arith.index_cast %get3A_251 : i32 to index
    %get3A_253 = memref.load %arg7[%get3A_252] : memref<32xi32, #tpu.memory_space<smem>>
    %broadcast_in_dim3A_254 = vector.broadcast %get3A_253 : i32 to vector<16xi32>
    %get3A_255 = arith.constant 19 : i32
    %get3A_256 = arith.index_cast %get3A_255 : i32 to index
    %get3A_257 = memref.load %arg7[%get3A_256] : memref<32xi32, #tpu.memory_space<smem>>
    %broadcast_in_dim3A_258 = vector.broadcast %get3A_257 : i32 to vector<16xi32>
    %get3A_259 = arith.constant 20 : i32
    %get3A_260 = arith.index_cast %get3A_259 : i32 to index
    %get3A_261 = memref.load %arg7[%get3A_260] : memref<32xi32, #tpu.memory_space<smem>>
    %broadcast_in_dim3A_262 = vector.broadcast %get3A_261 : i32 to vector<16xi32>
    %get3A_263 = arith.constant 21 : i32
    %get3A_264 = arith.index_cast %get3A_263 : i32 to index
    %get3A_265 = memref.load %arg7[%get3A_264] : memref<32xi32, #tpu.memory_space<smem>>
    %broadcast_in_dim3A_266 = vector.broadcast %get3A_265 : i32 to vector<16xi32>
    %get3A_267 = arith.constant 22 : i32
    %get3A_268 = arith.index_cast %get3A_267 : i32 to index
    %get3A_269 = memref.load %arg7[%get3A_268] : memref<32xi32, #tpu.memory_space<smem>>
    %broadcast_in_dim3A_270 = vector.broadcast %get3A_269 : i32 to vector<16xi32>
    %get3A_271 = arith.constant 23 : i32
    %get3A_272 = arith.index_cast %get3A_271 : i32 to index
    %get3A_273 = memref.load %arg7[%get3A_272] : memref<32xi32, #tpu.memory_space<smem>>
    %broadcast_in_dim3A_274 = vector.broadcast %get3A_273 : i32 to vector<16xi32>
    %get3A_275 = arith.constant 24 : i32
    %get3A_276 = arith.index_cast %get3A_275 : i32 to index
    %get3A_277 = memref.load %arg7[%get3A_276] : memref<32xi32, #tpu.memory_space<smem>>
    %broadcast_in_dim3A_278 = vector.broadcast %get3A_277 : i32 to vector<16xi32>
    %get3A_279 = arith.constant 25 : i32
    %get3A_280 = arith.index_cast %get3A_279 : i32 to index
    %get3A_281 = memref.load %arg7[%get3A_280] : memref<32xi32, #tpu.memory_space<smem>>
    %broadcast_in_dim3A_282 = vector.broadcast %get3A_281 : i32 to vector<16xi32>
    %get3A_283 = arith.constant 26 : i32
    %get3A_284 = arith.index_cast %get3A_283 : i32 to index
    %get3A_285 = memref.load %arg7[%get3A_284] : memref<32xi32, #tpu.memory_space<smem>>
    %broadcast_in_dim3A_286 = vector.broadcast %get3A_285 : i32 to vector<16xi32>
    %get3A_287 = arith.constant 27 : i32
    %get3A_288 = arith.index_cast %get3A_287 : i32 to index
    %get3A_289 = memref.load %arg7[%get3A_288] : memref<32xi32, #tpu.memory_space<smem>>
    %broadcast_in_dim3A_290 = vector.broadcast %get3A_289 : i32 to vector<16xi32>
    %get3A_291 = arith.constant 28 : i32
    %get3A_292 = arith.index_cast %get3A_291 : i32 to index
    %get3A_293 = memref.load %arg7[%get3A_292] : memref<32xi32, #tpu.memory_space<smem>>
    %broadcast_in_dim3A_294 = vector.broadcast %get3A_293 : i32 to vector<16xi32>
    %get3A_295 = arith.constant 29 : i32
    %get3A_296 = arith.index_cast %get3A_295 : i32 to index
    %get3A_297 = memref.load %arg7[%get3A_296] : memref<32xi32, #tpu.memory_space<smem>>
    %broadcast_in_dim3A_298 = vector.broadcast %get3A_297 : i32 to vector<16xi32>
    %get3A_299 = arith.constant 30 : i32
    %get3A_300 = arith.index_cast %get3A_299 : i32 to index
    %get3A_301 = memref.load %arg7[%get3A_300] : memref<32xi32, #tpu.memory_space<smem>>
    %broadcast_in_dim3A_302 = vector.broadcast %get3A_301 : i32 to vector<16xi32>
    %get3A_303 = arith.constant 31 : i32
    %get3A_304 = arith.index_cast %get3A_303 : i32 to index
    %get3A_305 = memref.load %arg7[%get3A_304] : memref<32xi32, #tpu.memory_space<smem>>
    %broadcast_in_dim3A_306 = vector.broadcast %get3A_305 : i32 to vector<16xi32>
    %scan3A_307 = arith.constant 0 : i32
    %scan3A_308 = arith.constant 0 : i32
    %scan3A_309 = arith.constant 25 : i32
    %scan3A_310 = arith.addi %scan3A_308, %scan3A_309 : i32
    %scan3A_311 = arith.constant 1 : i32
    scf.for %scan3A_321 = %scan3A_308 to %scan3A_310 step %scan3A_311  : i32 {
      %mul3A_322 = arith.constant 16 : i32
      %mul3A_323 = arith.muli %scan3A_321, %mul3A_322 : i32
      %broadcast_in_dim3A_324 = vector.broadcast %mul3A_323 : i32 to vector<16xi32>
      %add3A_325 = arith.addi %broadcast_in_dim3A_324, %iota3A : vector<16xi32>
      %broadcast_in_dim3A_326 = arith.constant 200 : i32
      %broadcast_in_dim3A_327 = vector.broadcast %broadcast_in_dim3A_326 : i32 to vector<16xi32>
      %ge3A = arith.cmpi sge, %add3A_325, %broadcast_in_dim3A_327 : vector<16xi32>
      %broadcast_in_dim3A_328 = arith.constant 199 : i32
      %broadcast_in_dim3A_329 = vector.broadcast %broadcast_in_dim3A_328 : i32 to vector<16xi32>
      %sub3A = arith.subi %add3A_325, %broadcast_in_dim3A_329 : vector<16xi32>
      %broadcast_in_dim3A_330 = arith.constant 1 : i32
      %broadcast_in_dim3A_331 = vector.broadcast %broadcast_in_dim3A_330 : i32 to vector<16xi32>
      %add3A_332 = arith.addi %add3A_325, %broadcast_in_dim3A_331 : vector<16xi32>
      %select_n3A = arith.select %ge3A, %sub3A, %add3A_332 : vector<16xi1>, vector<16xi32>
      %mul3A_333 = arith.constant 16 : i32
      %mul3A_334 = arith.muli %scan3A_321, %mul3A_333 : i32
      %select_n3A_335 = arith.select %ge3A, %broadcast_in_dim3A_186, %broadcast_in_dim3A_182 : vector<16xi1>, vector<16xi32>
      %le3A = arith.cmpi sle, %select_n3A, %select_n3A_335 : vector<16xi32>
      %broadcast_in_dim3A_336 = arith.constant 0 : i32
      %broadcast_in_dim3A_337 = vector.broadcast %broadcast_in_dim3A_336 : i32 to vector<16xi32>
      %select_n3A_338 = arith.select %le3A, %select_n3A, %broadcast_in_dim3A_337 : vector<16xi1>, vector<16xi32>
      %add3A_339 = arith.constant 0 : i32
      %add3A_340 = arith.addi %add3A_339, %mul3A_334 : i32
      %swap3A_341 = arith.index_cast %add3A_340 : i32 to index
      %swap3A_342 = tpu.vector_load %arg8[%swap3A_341] {strides = array<i32>} : memref<6400xi32, #tpu.memory_space<vmem>>, vector<16xi32>,
      %swap3A_343 = vector.shape_cast %swap3A_342 : vector<16xi32> to vector<16xi32>
      %swap3A_344 = vector.shape_cast %select_n3A_338 : vector<16xi32> to vector<16xi32>
      tpu.vector_store %arg8[%swap3A_341], %swap3A_344 {strides = array<i32>} : memref<6400xi32, #tpu.memory_space<vmem>>, vector<16xi32>,
      %select_n3A_345 = arith.select %ge3A, %broadcast_in_dim3A_194, %broadcast_in_dim3A_190 : vector<16xi1>, vector<16xi32>
      %le3A_346 = arith.cmpi sle, %select_n3A, %select_n3A_345 : vector<16xi32>
      %broadcast_in_dim3A_347 = arith.constant 0 : i32
      %broadcast_in_dim3A_348 = vector.broadcast %broadcast_in_dim3A_347 : i32 to vector<16xi32>
      %select_n3A_349 = arith.select %le3A_346, %select_n3A, %broadcast_in_dim3A_348 : vector<16xi1>, vector<16xi32>
      %add3A_350 = arith.constant 400 : i32
      %add3A_351 = arith.addi %add3A_350, %mul3A_334 : i32
      %swap3A_352 = arith.index_cast %add3A_351 : i32 to index
      %swap3A_353 = tpu.vector_load %arg8[%swap3A_352] {strides = array<i32>} : memref<6400xi32, #tpu.memory_space<vmem>>, vector<16xi32>,
      %swap3A_354 = vector.shape_cast %swap3A_353 : vector<16xi32> to vector<16xi32>
      %swap3A_355 = vector.shape_cast %select_n3A_349 : vector<16xi32> to vector<16xi32>
      tpu.vector_store %arg8[%swap3A_352], %swap3A_355 {strides = array<i32>} : memref<6400xi32, #tpu.memory_space<vmem>>, vector<16xi32>,
      %select_n3A_356 = arith.select %ge3A, %broadcast_in_dim3A_202, %broadcast_in_dim3A_198 : vector<16xi1>, vector<16xi32>
      %le3A_357 = arith.cmpi sle, %select_n3A, %select_n3A_356 : vector<16xi32>
      %broadcast_in_dim3A_358 = arith.constant 0 : i32
      %broadcast_in_dim3A_359 = vector.broadcast %broadcast_in_dim3A_358 : i32 to vector<16xi32>
      %select_n3A_360 = arith.select %le3A_357, %select_n3A, %broadcast_in_dim3A_359 : vector<16xi1>, vector<16xi32>
      %add3A_361 = arith.constant 800 : i32
      %add3A_362 = arith.addi %add3A_361, %mul3A_334 : i32
      %swap3A_363 = arith.index_cast %add3A_362 : i32 to index
      %swap3A_364 = tpu.vector_load %arg8[%swap3A_363] {strides = array<i32>} : memref<6400xi32, #tpu.memory_space<vmem>>, vector<16xi32>,
      %swap3A_365 = vector.shape_cast %swap3A_364 : vector<16xi32> to vector<16xi32>
      %swap3A_366 = vector.shape_cast %select_n3A_360 : vector<16xi32> to vector<16xi32>
      tpu.vector_store %arg8[%swap3A_363], %swap3A_366 {strides = array<i32>} : memref<6400xi32, #tpu.memory_space<vmem>>, vector<16xi32>,
      %select_n3A_367 = arith.select %ge3A, %broadcast_in_dim3A_210, %broadcast_in_dim3A_206 : vector<16xi1>, vector<16xi32>
      %le3A_368 = arith.cmpi sle, %select_n3A, %select_n3A_367 : vector<16xi32>
      %broadcast_in_dim3A_369 = arith.constant 0 : i32
      %broadcast_in_dim3A_370 = vector.broadcast %broadcast_in_dim3A_369 : i32 to vector<16xi32>
      %select_n3A_371 = arith.select %le3A_368, %select_n3A, %broadcast_in_dim3A_370 : vector<16xi1>, vector<16xi32>
      %add3A_372 = arith.constant 1200 : i32
      %add3A_373 = arith.addi %add3A_372, %mul3A_334 : i32
      %swap3A_374 = arith.index_cast %add3A_373 : i32 to index
      %swap3A_375 = tpu.vector_load %arg8[%swap3A_374] {strides = array<i32>} : memref<6400xi32, #tpu.memory_space<vmem>>, vector<16xi32>,
      %swap3A_376 = vector.shape_cast %swap3A_375 : vector<16xi32> to vector<16xi32>
      %swap3A_377 = vector.shape_cast %select_n3A_371 : vector<16xi32> to vector<16xi32>
      tpu.vector_store %arg8[%swap3A_374], %swap3A_377 {strides = array<i32>} : memref<6400xi32, #tpu.memory_space<vmem>>, vector<16xi32>,
      %select_n3A_378 = arith.select %ge3A, %broadcast_in_dim3A_218, %broadcast_in_dim3A_214 : vector<16xi1>, vector<16xi32>
      %le3A_379 = arith.cmpi sle, %select_n3A, %select_n3A_378 : vector<16xi32>
      %broadcast_in_dim3A_380 = arith.constant 0 : i32
      %broadcast_in_dim3A_381 = vector.broadcast %broadcast_in_dim3A_380 : i32 to vector<16xi32>
      %select_n3A_382 = arith.select %le3A_379, %select_n3A, %broadcast_in_dim3A_381 : vector<16xi1>, vector<16xi32>
      %add3A_383 = arith.constant 1600 : i32
      %add3A_384 = arith.addi %add3A_383, %mul3A_334 : i32
      %swap3A_385 = arith.index_cast %add3A_384 : i32 to index
      %swap3A_386 = tpu.vector_load %arg8[%swap3A_385] {strides = array<i32>} : memref<6400xi32, #tpu.memory_space<vmem>>, vector<16xi32>,
      %swap3A_387 = vector.shape_cast %swap3A_386 : vector<16xi32> to vector<16xi32>
      %swap3A_388 = vector.shape_cast %select_n3A_382 : vector<16xi32> to vector<16xi32>
      tpu.vector_store %arg8[%swap3A_385], %swap3A_388 {strides = array<i32>} : memref<6400xi32, #tpu.memory_space<vmem>>, vector<16xi32>,
      %select_n3A_389 = arith.select %ge3A, %broadcast_in_dim3A_226, %broadcast_in_dim3A_222 : vector<16xi1>, vector<16xi32>
      %le3A_390 = arith.cmpi sle, %select_n3A, %select_n3A_389 : vector<16xi32>
      %broadcast_in_dim3A_391 = arith.constant 0 : i32
      %broadcast_in_dim3A_392 = vector.broadcast %broadcast_in_dim3A_391 : i32 to vector<16xi32>
      %select_n3A_393 = arith.select %le3A_390, %select_n3A, %broadcast_in_dim3A_392 : vector<16xi1>, vector<16xi32>
      %add3A_394 = arith.constant 2000 : i32
      %add3A_395 = arith.addi %add3A_394, %mul3A_334 : i32
      %swap3A_396 = arith.index_cast %add3A_395 : i32 to index
      %swap3A_397 = tpu.vector_load %arg8[%swap3A_396] {strides = array<i32>} : memref<6400xi32, #tpu.memory_space<vmem>>, vector<16xi32>,
      %swap3A_398 = vector.shape_cast %swap3A_397 : vector<16xi32> to vector<16xi32>
      %swap3A_399 = vector.shape_cast %select_n3A_393 : vector<16xi32> to vector<16xi32>
      tpu.vector_store %arg8[%swap3A_396], %swap3A_399 {strides = array<i32>} : memref<6400xi32, #tpu.memory_space<vmem>>, vector<16xi32>,
      %select_n3A_400 = arith.select %ge3A, %broadcast_in_dim3A_234, %broadcast_in_dim3A_230 : vector<16xi1>, vector<16xi32>
      %le3A_401 = arith.cmpi sle, %select_n3A, %select_n3A_400 : vector<16xi32>
      %broadcast_in_dim3A_402 = arith.constant 0 : i32
      %broadcast_in_dim3A_403 = vector.broadcast %broadcast_in_dim3A_402 : i32 to vector<16xi32>
      %select_n3A_404 = arith.select %le3A_401, %select_n3A, %broadcast_in_dim3A_403 : vector<16xi1>, vector<16xi32>
      %add3A_405 = arith.constant 2400 : i32
      %add3A_406 = arith.addi %add3A_405, %mul3A_334 : i32
      %swap3A_407 = arith.index_cast %add3A_406 : i32 to index
      %swap3A_408 = tpu.vector_load %arg8[%swap3A_407] {strides = array<i32>} : memref<6400xi32, #tpu.memory_space<vmem>>, vector<16xi32>,
      %swap3A_409 = vector.shape_cast %swap3A_408 : vector<16xi32> to vector<16xi32>
      %swap3A_410 = vector.shape_cast %select_n3A_404 : vector<16xi32> to vector<16xi32>
      tpu.vector_store %arg8[%swap3A_407], %swap3A_410 {strides = array<i32>} : memref<6400xi32, #tpu.memory_space<vmem>>, vector<16xi32>,
      %select_n3A_411 = arith.select %ge3A, %broadcast_in_dim3A_242, %broadcast_in_dim3A_238 : vector<16xi1>, vector<16xi32>
      %le3A_412 = arith.cmpi sle, %select_n3A, %select_n3A_411 : vector<16xi32>
      %broadcast_in_dim3A_413 = arith.constant 0 : i32
      %broadcast_in_dim3A_414 = vector.broadcast %broadcast_in_dim3A_413 : i32 to vector<16xi32>
      %select_n3A_415 = arith.select %le3A_412, %select_n3A, %broadcast_in_dim3A_414 : vector<16xi1>, vector<16xi32>
      %add3A_416 = arith.constant 2800 : i32
      %add3A_417 = arith.addi %add3A_416, %mul3A_334 : i32
      %swap3A_418 = arith.index_cast %add3A_417 : i32 to index
      %swap3A_419 = tpu.vector_load %arg8[%swap3A_418] {strides = array<i32>} : memref<6400xi32, #tpu.memory_space<vmem>>, vector<16xi32>,
      %swap3A_420 = vector.shape_cast %swap3A_419 : vector<16xi32> to vector<16xi32>
      %swap3A_421 = vector.shape_cast %select_n3A_415 : vector<16xi32> to vector<16xi32>
      tpu.vector_store %arg8[%swap3A_418], %swap3A_421 {strides = array<i32>} : memref<6400xi32, #tpu.memory_space<vmem>>, vector<16xi32>,
      %select_n3A_422 = arith.select %ge3A, %broadcast_in_dim3A_250, %broadcast_in_dim3A_246 : vector<16xi1>, vector<16xi32>
      %le3A_423 = arith.cmpi sle, %select_n3A, %select_n3A_422 : vector<16xi32>
      %broadcast_in_dim3A_424 = arith.constant 0 : i32
      %broadcast_in_dim3A_425 = vector.broadcast %broadcast_in_dim3A_424 : i32 to vector<16xi32>
      %select_n3A_426 = arith.select %le3A_423, %select_n3A, %broadcast_in_dim3A_425 : vector<16xi1>, vector<16xi32>
      %add3A_427 = arith.constant 3200 : i32
      %add3A_428 = arith.addi %add3A_427, %mul3A_334 : i32
      %swap3A_429 = arith.index_cast %add3A_428 : i32 to index
      %swap3A_430 = tpu.vector_load %arg8[%swap3A_429] {strides = array<i32>} : memref<6400xi32, #tpu.memory_space<vmem>>, vector<16xi32>,
      %swap3A_431 = vector.shape_cast %swap3A_430 : vector<16xi32> to vector<16xi32>
      %swap3A_432 = vector.shape_cast %select_n3A_426 : vector<16xi32> to vector<16xi32>
      tpu.vector_store %arg8[%swap3A_429], %swap3A_432 {strides = array<i32>} : memref<6400xi32, #tpu.memory_space<vmem>>, vector<16xi32>,
      %select_n3A_433 = arith.select %ge3A, %broadcast_in_dim3A_258, %broadcast_in_dim3A_254 : vector<16xi1>, vector<16xi32>
      %le3A_434 = arith.cmpi sle, %select_n3A, %select_n3A_433 : vector<16xi32>
      %broadcast_in_dim3A_435 = arith.constant 0 : i32
      %broadcast_in_dim3A_436 = vector.broadcast %broadcast_in_dim3A_435 : i32 to vector<16xi32>
      %select_n3A_437 = arith.select %le3A_434, %select_n3A, %broadcast_in_dim3A_436 : vector<16xi1>, vector<16xi32>
      %add3A_438 = arith.constant 3600 : i32
      %add3A_439 = arith.addi %add3A_438, %mul3A_334 : i32
      %swap3A_440 = arith.index_cast %add3A_439 : i32 to index
      %swap3A_441 = tpu.vector_load %arg8[%swap3A_440] {strides = array<i32>} : memref<6400xi32, #tpu.memory_space<vmem>>, vector<16xi32>,
      %swap3A_442 = vector.shape_cast %swap3A_441 : vector<16xi32> to vector<16xi32>
      %swap3A_443 = vector.shape_cast %select_n3A_437 : vector<16xi32> to vector<16xi32>
      tpu.vector_store %arg8[%swap3A_440], %swap3A_443 {strides = array<i32>} : memref<6400xi32, #tpu.memory_space<vmem>>, vector<16xi32>,
      %select_n3A_444 = arith.select %ge3A, %broadcast_in_dim3A_266, %broadcast_in_dim3A_262 : vector<16xi1>, vector<16xi32>
      %le3A_445 = arith.cmpi sle, %select_n3A, %select_n3A_444 : vector<16xi32>
      %broadcast_in_dim3A_446 = arith.constant 0 : i32
      %broadcast_in_dim3A_447 = vector.broadcast %broadcast_in_dim3A_446 : i32 to vector<16xi32>
      %select_n3A_448 = arith.select %le3A_445, %select_n3A, %broadcast_in_dim3A_447 : vector<16xi1>, vector<16xi32>
      %add3A_449 = arith.constant 4000 : i32
      %add3A_450 = arith.addi %add3A_449, %mul3A_334 : i32
      %swap3A_451 = arith.index_cast %add3A_450 : i32 to index
      %swap3A_452 = tpu.vector_load %arg8[%swap3A_451] {strides = array<i32>} : memref<6400xi32, #tpu.memory_space<vmem>>, vector<16xi32>,
      %swap3A_453 = vector.shape_cast %swap3A_452 : vector<16xi32> to vector<16xi32>
      %swap3A_454 = vector.shape_cast %select_n3A_448 : vector<16xi32> to vector<16xi32>
      tpu.vector_store %arg8[%swap3A_451], %swap3A_454 {strides = array<i32>} : memref<6400xi32, #tpu.memory_space<vmem>>, vector<16xi32>,
      %select_n3A_455 = arith.select %ge3A, %broadcast_in_dim3A_274, %broadcast_in_dim3A_270 : vector<16xi1>, vector<16xi32>
      %le3A_456 = arith.cmpi sle, %select_n3A, %select_n3A_455 : vector<16xi32>
      %broadcast_in_dim3A_457 = arith.constant 0 : i32
      %broadcast_in_dim3A_458 = vector.broadcast %broadcast_in_dim3A_457 : i32 to vector<16xi32>
      %select_n3A_459 = arith.select %le3A_456, %select_n3A, %broadcast_in_dim3A_458 : vector<16xi1>, vector<16xi32>
      %add3A_460 = arith.constant 4400 : i32
      %add3A_461 = arith.addi %add3A_460, %mul3A_334 : i32
      %swap3A_462 = arith.index_cast %add3A_461 : i32 to index
      %swap3A_463 = tpu.vector_load %arg8[%swap3A_462] {strides = array<i32>} : memref<6400xi32, #tpu.memory_space<vmem>>, vector<16xi32>,
      %swap3A_464 = vector.shape_cast %swap3A_463 : vector<16xi32> to vector<16xi32>
      %swap3A_465 = vector.shape_cast %select_n3A_459 : vector<16xi32> to vector<16xi32>
      tpu.vector_store %arg8[%swap3A_462], %swap3A_465 {strides = array<i32>} : memref<6400xi32, #tpu.memory_space<vmem>>, vector<16xi32>,
      %select_n3A_466 = arith.select %ge3A, %broadcast_in_dim3A_282, %broadcast_in_dim3A_278 : vector<16xi1>, vector<16xi32>
      %le3A_467 = arith.cmpi sle, %select_n3A, %select_n3A_466 : vector<16xi32>
      %broadcast_in_dim3A_468 = arith.constant 0 : i32
      %broadcast_in_dim3A_469 = vector.broadcast %broadcast_in_dim3A_468 : i32 to vector<16xi32>
      %select_n3A_470 = arith.select %le3A_467, %select_n3A, %broadcast_in_dim3A_469 : vector<16xi1>, vector<16xi32>
      %add3A_471 = arith.constant 4800 : i32
      %add3A_472 = arith.addi %add3A_471, %mul3A_334 : i32
      %swap3A_473 = arith.index_cast %add3A_472 : i32 to index
      %swap3A_474 = tpu.vector_load %arg8[%swap3A_473] {strides = array<i32>} : memref<6400xi32, #tpu.memory_space<vmem>>, vector<16xi32>,
      %swap3A_475 = vector.shape_cast %swap3A_474 : vector<16xi32> to vector<16xi32>
      %swap3A_476 = vector.shape_cast %select_n3A_470 : vector<16xi32> to vector<16xi32>
      tpu.vector_store %arg8[%swap3A_473], %swap3A_476 {strides = array<i32>} : memref<6400xi32, #tpu.memory_space<vmem>>, vector<16xi32>,
      %select_n3A_477 = arith.select %ge3A, %broadcast_in_dim3A_290, %broadcast_in_dim3A_286 : vector<16xi1>, vector<16xi32>
      %le3A_478 = arith.cmpi sle, %select_n3A, %select_n3A_477 : vector<16xi32>
      %broadcast_in_dim3A_479 = arith.constant 0 : i32
      %broadcast_in_dim3A_480 = vector.broadcast %broadcast_in_dim3A_479 : i32 to vector<16xi32>
      %select_n3A_481 = arith.select %le3A_478, %select_n3A, %broadcast_in_dim3A_480 : vector<16xi1>, vector<16xi32>
      %add3A_482 = arith.constant 5200 : i32
      %add3A_483 = arith.addi %add3A_482, %mul3A_334 : i32
      %swap3A_484 = arith.index_cast %add3A_483 : i32 to index
      %swap3A_485 = tpu.vector_load %arg8[%swap3A_484] {strides = array<i32>} : memref<6400xi32, #tpu.memory_space<vmem>>, vector<16xi32>,
      %swap3A_486 = vector.shape_cast %swap3A_485 : vector<16xi32> to vector<16xi32>
      %swap3A_487 = vector.shape_cast %select_n3A_481 : vector<16xi32> to vector<16xi32>
      tpu.vector_store %arg8[%swap3A_484], %swap3A_487 {strides = array<i32>} : memref<6400xi32, #tpu.memory_space<vmem>>, vector<16xi32>,
      %select_n3A_488 = arith.select %ge3A, %broadcast_in_dim3A_298, %broadcast_in_dim3A_294 : vector<16xi1>, vector<16xi32>
      %le3A_489 = arith.cmpi sle, %select_n3A, %select_n3A_488 : vector<16xi32>
      %broadcast_in_dim3A_490 = arith.constant 0 : i32
      %broadcast_in_dim3A_491 = vector.broadcast %broadcast_in_dim3A_490 : i32 to vector<16xi32>
      %select_n3A_492 = arith.select %le3A_489, %select_n3A, %broadcast_in_dim3A_491 : vector<16xi1>, vector<16xi32>
      %add3A_493 = arith.constant 5600 : i32
      %add3A_494 = arith.addi %add3A_493, %mul3A_334 : i32
      %swap3A_495 = arith.index_cast %add3A_494 : i32 to index
      %swap3A_496 = tpu.vector_load %arg8[%swap3A_495] {strides = array<i32>} : memref<6400xi32, #tpu.memory_space<vmem>>, vector<16xi32>,
      %swap3A_497 = vector.shape_cast %swap3A_496 : vector<16xi32> to vector<16xi32>
      %swap3A_498 = vector.shape_cast %select_n3A_492 : vector<16xi32> to vector<16xi32>
      tpu.vector_store %arg8[%swap3A_495], %swap3A_498 {strides = array<i32>} : memref<6400xi32, #tpu.memory_space<vmem>>, vector<16xi32>,
      %select_n3A_499 = arith.select %ge3A, %broadcast_in_dim3A_306, %broadcast_in_dim3A_302 : vector<16xi1>, vector<16xi32>
      %le3A_500 = arith.cmpi sle, %select_n3A, %select_n3A_499 : vector<16xi32>
      %broadcast_in_dim3A_501 = arith.constant 0 : i32
      %broadcast_in_dim3A_502 = vector.broadcast %broadcast_in_dim3A_501 : i32 to vector<16xi32>
      %select_n3A_503 = arith.select %le3A_500, %select_n3A, %broadcast_in_dim3A_502 : vector<16xi1>, vector<16xi32>
      %add3A_504 = arith.constant 6000 : i32
      %add3A_505 = arith.addi %add3A_504, %mul3A_334 : i32
      %swap3A_506 = arith.index_cast %add3A_505 : i32 to index
      %swap3A_507 = tpu.vector_load %arg8[%swap3A_506] {strides = array<i32>} : memref<6400xi32, #tpu.memory_space<vmem>>, vector<16xi32>,
      %swap3A_508 = vector.shape_cast %swap3A_507 : vector<16xi32> to vector<16xi32>
      %swap3A_509 = vector.shape_cast %select_n3A_503 : vector<16xi32> to vector<16xi32>
      tpu.vector_store %arg8[%swap3A_506], %swap3A_509 {strides = array<i32>} : memref<6400xi32, #tpu.memory_space<vmem>>, vector<16xi32>,
    }
    %scan3A_312 = arith.constant 25 : i32
    %dma_start3A = tpu.memref_slice %arg5[%mul3A_4] : memref<204800xi32, #tpu.memory_space<hbm>> -> memref<6400xi32, #tpu.memory_space<hbm>>
    %dma_start3A_313 = tpu.memref_slice %arg5[%mul3A_4] : memref<204800xi32, #tpu.memory_space<hbm>> -> memref<6400xi32, #tpu.memory_space<hbm>>
    tpu.enqueue_dma source(%arg8 : memref<6400xi32, #tpu.memory_space<vmem>>) target(%dma_start3A_313 : memref<6400xi32, #tpu.memory_space<hbm>>) target_semaphore(%arg12 : memref<!tpu.dma_semaphore, #tpu.memory_space<semaphore_mem>>)
    %scan3A_314 = arith.constant 0 : i32
    %scan3A_315 = arith.constant 0 : i32
    %scan3A_316 = arith.constant 32 : i32
    %scan3A_317 = arith.addi %scan3A_315, %scan3A_316 : i32
    %scan3A_318 = arith.constant 1 : i32
    scf.for %scan3A_321 = %scan3A_315 to %scan3A_317 step %scan3A_318  : i32 {
      %dma_wait3A_322 = arith.constant 0 : i32
      %dma_wait3A_323 = tpu.memref_slice %arg9[%dma_wait3A_322] : memref<25728xf32, #tpu.memory_space<vmem>> -> memref<25600xf32, #tpu.memory_space<vmem>>
      %dma_wait3A_324 = arith.constant 0 : i32
      %dma_wait3A_325 = tpu.memref_slice %arg4[%dma_wait3A_324] : memref<26214400xf32, #tpu.memory_space<hbm>> -> memref<25600xf32, #tpu.memory_space<hbm>>
      %dma_wait3A_326 = arith.constant 0 : i32
      %dma_wait3A_327 = tpu.memref_slice %arg9[%dma_wait3A_326] : memref<25728xf32, #tpu.memory_space<vmem>> -> memref<25600xf32, #tpu.memory_space<vmem>>
      %dma_wait3A_328 = arith.constant 0 : i32
      %dma_wait3A_329 = tpu.memref_slice %arg4[%dma_wait3A_328] : memref<26214400xf32, #tpu.memory_space<hbm>> -> memref<25600xf32, #tpu.memory_space<hbm>>
      tpu.wait_dma2 semaphore(%arg11 : memref<!tpu.dma_semaphore, #tpu.memory_space<semaphore_mem>>) src(%dma_wait3A_329 : memref<25600xf32, #tpu.memory_space<hbm>>) dst(%dma_wait3A_327 : memref<25600xf32, #tpu.memory_space<vmem>>)
    }
    %scan3A_319 = arith.constant 32 : i32
    %dma_wait3A = tpu.memref_slice %arg5[%mul3A_4] : memref<204800xi32, #tpu.memory_space<hbm>> -> memref<6400xi32, #tpu.memory_space<hbm>>
    %dma_wait3A_320 = tpu.memref_slice %arg5[%mul3A_4] : memref<204800xi32, #tpu.memory_space<hbm>> -> memref<6400xi32, #tpu.memory_space<hbm>>
    tpu.wait_dma2 semaphore(%arg12 : memref<!tpu.dma_semaphore, #tpu.memory_space<semaphore_mem>>) src(%arg8 : memref<6400xi32, #tpu.memory_space<vmem>>) dst(%dma_wait3A_320 : memref<6400xi32, #tpu.memory_space<hbm>>)
    return
  }
}

</mosaic_0001>

<sc_bundles>
// kernel: kernel.3.cloned.1.call-start
scs
__scs_entry_jumppad:
0x0: {  	(pc) =	sbr.rel $0x88, $3  }
0x1: {  	(tag) =	ssettag $0x0;
	lr =	simm.s32 $0x1  }
0x2: {  	[smem:$0x3F9F] =	sst lr;
	_ =	strace $0xD0000000  }
0x3: {  	_ = 	snop  }
0x4: {  	_ = 	snop  }
0x5: {  	_ = 	snop  }
0x6: {  	_ = 	snop  }
0x7: {  	_ = 	snop  }
__scs_overlays_trampoline_lowered:
0x8: {  	[smem:$0x3FAE] =	sst s0  }
0x9: {  	[smem:$0x3FAF] =	sst s1  }
0xa: {  	[smem:$0x3FB0] =	sst s2  }
0xb: {  	[smem:$0x3FB1] =	sst s3  }
0xc: {  	[smem:$0x3FB2] =	sst s4  }
0xd: {  	[smem:$0x3FB3] =	sst s5  }
0xe: {  	[smem:$0x3FB4] =	sst s6  }
0xf: {  	[smem:$0x3FB5] =	sst s7  }
0x10: {  	[smem:$0x3FB6] =	sst s8  }
0x11: {  	[smem:$0x3FB7] =	sst s9;
	s0 =	simm.s32 @!p0 $0x0  }
0x12: {  	s1 =	sld [smem:$0x3F9D];
	s0 =	simm.s32 @p0 $0x1  }
0x13: {  	[smem:$0x3FB8] =	sst s0;
	s0 =	simm.s32 @!p1 $0x0  }
0x14: {  	s2 =	sld [smem:$0x3F9C];
	s0 =	simm.s32 @p1 $0x1  }
0x15: {  	[smem:$0x3FB9] =	sst s0;
	s0 =	simm.s32 @!p2 $0x0  }
0x16: {  	s3 =	sld [smem:$0x3FDB];
	s0 =	simm.s32 @p2 $0x1  }
0x17: {  	s4 =	simm.s32 $0x1BF5;
	[smem:$0x3FBB] =	sst s0  }
0x18: {  	s0 =	sld [smem:$0x3F9E];
	_ =	swait.ge [sflag:s4], $0x0  }
0x19: {  	s7 =	sld [smem:$0x3F9F]  }
0x1a: {  	s8 =	sadd.s32 $0xFFFFE003, lr  }
0x1b: {  	s9 =	sadd.s32 $0xFFFFFEF7, lr;
	s5 =	simm.s32 $0xFFFFFFFF;
	p2 =	slt.u32 s8, $0xFFFFF086  }
0x1c: {  	p1 =	slt.u32 s9, $0xF7A;
	s5 =	simm.s32 @!p2 $0x0  }
0x1d: {  	s5 =	simm.s32 @p1 $0x1;
	p0 =	seq.s32 s7, s2  }
0x1e: {  	s7 =	smul.u32 @!p0 $0xF7A, s2;
	p2 =	seq.s32 @!p0 s5, $0x0  }
0x1f: {  	s9 =	smul.u32 $0xF7A, s1;
	s8 =	simm.s32 @!p0 $0x1BF5;
	p2 =	por !p2, p0  }
0x20: {  	[sflag:s8] =	ssyncset.s32 @!p0 $0xFFFFF086;
	s6 =	sadd.s32 @!p0 s3, s7;
	s7 =	simm.s32 @!p0 $0x108  }
0x21: {  	s3 =	sadd.s32 s3, s9;
	s6 =	sadd.s32 @!p0 $0x88, s6;
	s7 =	simm.s32 @p2 $0x1082  }
0x22: {  	[simem:s7], [sflag:s8] =	dma.local @!p0 [hbm:s6], $0xF7A  }
0x23: {  	s9 =	sor.u32 $0xD0000000, s2;
	s6 =	simm.s32 $0x108;
	_ =	swait.ge @!p0 [sflag:s8], $0x0  }
0x24: {  	s3 =	sadd.s32 $0x88, s3;
	s6 =	simm.s32 @!p1 $0x1082;
	[sflag:s4] =	ssyncset.s32 $0xFFFFF086  }
0x25: {  	[simem:s6], [sflag:s4] =	dma.local [hbm:s3], $0xF7A  }
0x26: {  	[smem:$0x3F9F] =	sst s1;
	(tag) =	ssettag s2;
	_ =	strace s9  }
0x27: {  	s1 =	sld [smem:$0x3FAF]  }
0x28: {  	s2 =	sld [smem:$0x3FB0]  }
0x29: {  	s4 =	sld [smem:$0x3FB2]  }
0x2a: {  	p0 =	seq.s32 s5, $0x0;
	s5 =	sld [smem:$0x3FB3]  }
0x2b: {  	s6 =	sld [smem:$0x3FB4]  }
0x2c: {  	s7 =	sld [smem:$0x3FB5]  }
0x2d: {  	s3 =	simm.s32 $0x108;
	s8 =	sld [smem:$0x3FB6]  }
0x2e: {  	s3 =	simm.s32 @!p0 $0x1082;
	s9 =	sld [smem:$0x3FB7]  }
0x2f: {  	lr =	sadd.s32 s0, s3;
	s0 =	sld [smem:$0x3FAE]  }
0x30: {  	s3 =	sld [smem:$0x3FB1]  }
0x31: {  	[smem:$0x3FBA] =	sst s10  }
0x32: {  	s10 =	sld [smem:$0x3FB8];
	_ =	sdelay $0x3  }
0x33: {  	p0 =	seq.s32 s10, $0x1;
	s10 =	sld [smem:$0x3FBA];
	_ =	sdelay $0x3  }
0x34: {  	[smem:$0x3FBA] =	sst s10  }
0x35: {  	s10 =	sld [smem:$0x3FB9];
	_ =	sdelay $0x3  }
0x36: {  	p1 =	seq.s32 s10, $0x1;
	s10 =	sld [smem:$0x3FBA];
	_ =	sdelay $0x3  }
0x37: {  	[smem:$0x3FBA] =	sst s10  }
0x38: {  	s10 =	sld [smem:$0x3FBB]  }
0x39: {  	_ = 	snop;
	(pc) =	sbr.ind lr, $3  }
0x3a: {  	_ = 	snop  }
0x3b: {  	_ = 	snop  }
0x3c: {  	p2 =	seq.s32 s10, $0x1;
	s10 =	sld [smem:$0x3FBA]  }
0x3d: {  	_ =	shalt  }
0x3e: {  	_ =	shalt  }
0x3f: {  	_ =	shalt  }
0x40: {  	_ =	shalt  }
0x41: {  	_ =	shalt  }
0x42: {  	_ =	shalt  }
0x43: {  	_ =	shalt  }
0x44: {  	_ =	shalt  }
0x45: {  	_ =	shalt  }
0x46: {  	_ =	shalt  }
0x47: {  	_ =	shalt  }
0x48: {  	_ =	shalt  }
0x49: {  	_ =	shalt  }
0x4a: {  	_ =	shalt  }
0x4b: {  	_ =	shalt  }
0x4c: {  	_ =	shalt  }
0x4d: {  	_ =	shalt  }
0x4e: {  	_ =	shalt  }
0x4f: {  	_ =	shalt  }
0x50: {  	_ =	shalt  }
0x51: {  	_ =	shalt  }
0x52: {  	_ =	shalt  }
0x53: {  	_ =	shalt  }
0x54: {  	_ =	shalt  }
0x55: {  	_ =	shalt  }
0x56: {  	_ =	shalt  }
0x57: {  	_ =	shalt  }
0x58: {  	_ =	shalt  }
0x59: {  	_ =	shalt  }
0x5a: {  	_ =	shalt  }
0x5b: {  	_ =	shalt  }
0x5c: {  	_ =	shalt  }
0x5d: {  	_ =	shalt  }
0x5e: {  	_ =	shalt  }
0x5f: {  	_ =	shalt  }
0x60: {  	_ =	shalt  }
0x61: {  	_ =	shalt  }
0x62: {  	_ =	shalt  }
0x63: {  	_ =	shalt  }
0x64: {  	_ =	shalt  }
0x65: {  	_ =	shalt  }
0x66: {  	_ =	shalt  }
0x67: {  	_ =	shalt  }
0x68: {  	_ =	shalt  }
0x69: {  	_ =	shalt  }
0x6a: {  	_ =	shalt  }
0x6b: {  	_ =	shalt  }
0x6c: {  	_ =	shalt  }
0x6d: {  	_ =	shalt  }
0x6e: {  	_ =	shalt  }
0x6f: {  	_ =	shalt  }
0x70: {  	_ =	shalt  }
0x71: {  	_ =	shalt  }
0x72: {  	_ =	shalt  }
0x73: {  	_ =	shalt  }
0x74: {  	_ =	shalt  }
0x75: {  	_ =	shalt  }
0x76: {  	_ =	shalt  }
0x77: {  	_ =	shalt  }
0x78: {  	_ =	shalt  }
0x79: {  	_ =	shalt  }
0x7a: {  	_ =	shalt  }
0x7b: {  	_ =	shalt  }
0x7c: {  	_ =	shalt  }
0x7d: {  	_ =	shalt  }
0x7e: {  	_ =	shalt  }
0x7f: {  	_ =	shalt  }
0x80: {  	_ =	shalt  }
0x81: {  	_ =	shalt  }
0x82: {  	_ =	shalt  }
0x83: {  	_ =	shalt  }
0x84: {  	_ =	shalt  }
0x85: {  	_ =	shalt  }
0x86: {  	_ =	shalt  }
0x87: {  	_ =	shalt  }
.Lfunc_end0:
.L_simem_size_0:
called_computation_lowered:
.L_overlay_start_0:
0x88: {  	s2 =	sld [smem:$0x3FD9]  }
0x89: {  	s3 =	sld [smem:$0x3FFE];
	_ =	sdelay $0x1  }
0x8a: {  	s1 =	srdreg.scid  }
0x8b: {  	s0 =	sand.u32 $0x1, s1  }
0x8c: {  	s15 =	sshll.u32 s0, $0xA;
	s2 =	sadd.s32 s3, s2  }
0x8d: {  	s2 =	sadd.s32 s2, s15  }
0x8e: {  	[smem:$0x3FC6] =	sst s2  }
0x8f: {  	_ = 	snop  }
0x90: {  	s2 =	sld [smem:$0x3FD0];
	_ =	sdelay $0x1  }
0x91: {  	s16 =	sld [smem:$0x3FC9]  }
0x92: {  	s5 =	simm.s32 $0xA;
	s6 =	simm.s32 $0x10;
	s4 =	sld [smem:$0x3FC8]  }
0x93: {  	[smem:s6], [sflag:s5] =	dma.local [hbm:s2], $0x1  }
0x94: {  	_ =	swait.eq [sflag:s5], $0x1  }
0x95: {  	[sflag:s5] =	ssyncset.done $0x0  }
0x96: {  	s17 =	sld [smem:$0x10];
	[sflag:s5] =	ssyncadd.s32 $0xFFFFFFFF  }
0x97: {  	s18 =	sld [smem:$0x11];
	(tm) =	ssettm $0x1  }
0x98: {  	s19 =	sld [smem:$0x3FFB];
	_ =	sdelay $0x3  }
0x99: {  	_ =	strace s19  }
0x9a: {  	s6 =	sld [smem:$0x3FFC];
	_ =	sdelay $0x3  }
0x9b: {  	_ =	strace s6  }
0x9c: {  	s6 =	sld [smem:$0x3FFD];
	_ =	sdelay $0x3  }
0x9d: {  	_ =	strace s6  }
0x9e: {  	_ =	strace $0x8FFFFFFF  }
0x9f: {  	s20 =	sld [smem:$0x3FDB];
	_ =	sdelay $0x1  }
0xa0: {  	s7 =	simm.s32 $_scs_section_size  }
0xa1: {  	s8 =	simm.s32 $_size__tile_overlayer_lowered;
	s9 =	simm.s32 $_tile_overlayer_lowered  }
0xa2: {  	s23 =	simm.s32 $0x1BFF;
	s22 =	sshll.u32 s9, $0x1;
	s6 =	sadd.s32 s7, s20  }
0xa3: {  	s10 =	simm.s32 $0x0;
	s21 =	sshll.u32 s8, $0x1;
	s8 =	sadd.s32 s22, s6  }
0xa4: {  	[timem:s10], [sflag:s23] =	dma.local [hbm:s8], s21  }
0xa5: {  	_ =	swait.ge [sflag:s23], s21  }
0xa6: {  	s7 =	ssub.s32 $0x0, s21;
	[sflag:s23] =	ssyncset.done $0x0  }
0xa7: {  	[sflag:s23] =	ssyncadd.s32 s7;
	_ =	sdelay $0x1  }
0xa8: {  	s24 =	simm.s32 $0x1B8B  }
0xa9: {  	_ =	swait.ge [sflag:s24], $0x1  }
0xaa: {  	[sflag:s24] =	ssyncset.done $0x0  }
0xab: {  	s25 =	simm.s32 $0x1B8E;
	[sflag:s24] =	ssyncadd.s32 $0xFFFFFFFF  }
0xac: {  	s26 =	simm.s32 $execute0_lowered;
	[smem:$0x3FD2] =	sst s25  }
0xad: {  	s7 =	sshll.u32 s26, $0x1;
	_ =	strace $0x80000046;
	[dreg:$0x1] =	wrdreg $0xFFFFFFFF  }
0xae: {  	s28 =	simm.s32 $_size_execute0_lowered;
	s6 =	sadd.s32 s6, s7;
	[dreg:$0x0] =	wrdreg $0x0  }
0xaf: {  	s7 =	sshll.u32 s28, $0x1;
	[dreg:$0x2] =	wrdreg s6  }
0xb0: {  	[dreg:$0x3] =	wrdreg s7  }
0xb1: {  	[dreg:$0x4] =	wrdreg $0xC0  }
0xb2: {  	_ =	task [dreg:s10], $0x5FFFF  }
0xb3: {  	[dreg:$0x1] =	wrdreg $0xFFFFFFFF  }
0xb4: {  	[dreg:$0x0] =	wrdreg $0x60  }
0xb5: {  	[dreg:$0x2] =	wrdreg s4  }
0xb6: {  	[dreg:$0x3] =	wrdreg s16  }
0xb7: {  	[dreg:$0x4] =	wrdreg s17  }
0xb8: {  	[dreg:$0x5] =	wrdreg s18  }
0xb9: {  	[dreg:$0x6] =	wrdreg $0x9  }
0xba: {  	_ =	task.clear_ibuf [dreg:s10], $0x7FFFF;
	_ =	strace $0x90000046  }
0xbb: {  	s29 =	simm.s32 $0x9;
	_ =	strace $0x80000048  }
0xbc: {  	_ =	swait.ge [sflag:s29], $0x1  }
0xbd: {  	[sflag:s29] =	ssyncadd.s32 $0xFFFFFFFF  }
0xbe: {  	_ =	strace $0x90000048  }
0xbf: {  	_ =	sfence  }
0xc0: {  	s30 =	sld [smem:$0x0];
	_ =	sdelay $0x2  }
0xc1: {  	s31 =	sshll.u32 s1, $0xD;
	s1 =	sshrl.u32 s1, $0x2  }
0xc2: {  	s3 =	sand.u32 $0x4000, s31;
	s1 =	sadd.s32 s1, s30  }
0xc3: {  	s0 =	sor.u32 s3, s0;
	s1 =	sshll.u32 s1, $0x11  }
0xc4: {  	s0 =	sor.u32 s1, s0  }
0xc5: {  	s0 =	sadd.s32 $0x8F2B, s0  }
0xc6: {  	[sflag:s0] =	ssyncadd.remote.s32 $0x1  }
0xc7: {  	_ =	sfence.sel $0xFFFF  }
0xc8: {  	[dreg:$0x0] =	wrdreg $0xFFFFFFFF;
	(pc) =	sbr.abs _section_cstart, $3  }
0xc9: {  	[dreg:$0x1] =	wrdreg $0xFFFFFFFF  }
0xca: {  	_ =	task.clear_ibuf [dreg:s10], $0x2FFFF;
	_ =	strace $0x9FFFFFFF  }
0xcb: {  	(tm) =	ssettm $0x7FFFFFFF  }
tec
execute0_lowered:
.L_overlay_start_1:
0x0: {  	(tag) =	ssettag $0x1  }
0x1: {  	s0 =	rddreg [dreg:$0x1]  }
0x2: {  	s3 =	rddreg [dreg:$0x2];
	s1 =	srdreg.scid  }
0x3: {  	s11 =	stileid.u32;
	s2 =	rddreg [dreg:$0x3];
	s4 =	simm.s32 $0x0  }
0x4: {  	s17 =	simm.s32 $0x3;
	s28 =	simm.s32 $0x1;
	s29 =	simm.s32 $0x2  }
0x5: {  	s30 =	simm.s32 $0x7E00;
	s31 =	simm.s32 $0x0;
	s8 =	smul.u32 $0x3200, s11  }
0x6: {  	s1 =	sand.u32 $0x1, s1;
	s5 =	sshll.u32 s11, $0x1;
	s18 =	smul.u32 $0x32000, s11  }
0x7: {  	[smem:$0x7FF] =	sst s4;
	s6 =	sor.u32 s1, s5;
	s10 =	smul.u32 $0x1900, s1  }
0x8: {  	_ =	strace $0x80000047;
	s7 =	ssub.s32 $0x2, s1;
	s1 =	smul.u32 $0x19000, s1  }
0x9: {  	s5 =	smul.u32 $0x1900, s6;
	s9 =	sshrl.u32 s7, $0x1;
	s6 =	sshll.u32 s6, $0x2  }
0xa: {  	s7 =	ssub.s32 s7, s9;
	s0 =	sadd.s32 s0, s6;
	s8 =	sadd.s32 s10, s8  }
0xb: {  	[dreg:$0x5] =	wrdreg s0;
	s19 =	sshrl.u32 s5, $0x3;
	s0 =	sadd.s32 s18, s3  }
0xc: {  	s20 =	sshll.u32 s8, $0x4;
	s21 =	smax.u32 s7, $0x1;
	s2 =	sadd.s32 s2, s19  }
0xd: {  	[dreg:$0x7] =	wrdreg s21;
	s0 =	sadd.s32 s1, s0;
	s22 =	sadd.s32 s20, s3  }
0xe: {  	s19 =	simm.s32 $0x1A00;
	s20 =	simm.s32 $0x2680;
	[dreg:$0x6] =	wrdreg s2  }
0xf: {  	v3 =	vlaneseq.u32;
	s21 =	simm.s32 $0x3300;
	[dreg:$0x8] =	wrdreg s0;
	s24 =	sadd.s32 $0x190, s22  }
0x10: {  	v1 =	vmul.u32 $0xFFFFFFFF, v3;
	s25 =	sadd.s32 $0x320, s22;
	s26 =	sadd.s32 $0x4B0, s22;
	[dreg:$0x9] =	wrdreg s24  }
0x11: {  	v0 =	vimm.f32 $0.0e+00;
	s1 =	sadd.s32 $0x640, s22;
	s23 =	sadd.s32 $0x960, s22;
	[dreg:$0xa] =	wrdreg s25  }
0x12: {  	v2 =	vadd.s32 $0x1, v3;
	v3 =	vadd.s32 $0xFFFFFF39, v3;
	v1 =	vadd.s32 $0xC7, v1;
	s0 =	sadd.s32 $0xAF0, s22;
	[dreg:$0xb] =	wrdreg s26;
	s24 =	sadd.s32 $0x7D0, s22  }
.LBB2_1:
0x13: {  	s2 =	rddreg [dreg:$0x5]  }
0x14: {  	[tilespmem:s4], [sflag:$0x3] =	stream.linear.gather [hbm4b:s2+s4], $0x20, $0x38;
	[tilespmem:$0x8A80] =	vst v63  }
0x15: {  	_ =	swait.ge [sflag:s17], $0x20  }
0x16: {  	[sflag:s17] =	ssyncset.done $0x0  }
0x17: {  	[sflag:s17] =	ssyncadd.s32 $0xFFFFFFE0  }
0x18: {  	s6 =	simm.s32 $0x1980;
	s22 =	rddreg [dreg:$0x0]  }
0x19: {  	[tilespmem:s6], [sflag:$0x3] =	stream.linear.gather [hbm4b:s22+s4], $0x6480, $0x38;
	[tilespmem:$0x8A80] =	vst v63  }
0x1a: {  	_ =	swait.ge [sflag:s17], $0x6480  }
0x1b: {  	[sflag:s17] =	ssyncset.done $0x0  }
0x1c: {  	[sflag:s17] =	ssyncadd.s32 $0xFFFF9B80  }
0x1d: {  	v5 =	vld [tilespmem:$0x0];
	_ =	sdelay $0x4  }
0x1e: {  	(v2sf) =	vpush v5, $0x0  }
0x1f: {  	(v2sf) =	vpush v5, $0x1  }
0x20: {  	(v2sf) =	vpush v5, $0x2  }
0x21: {  	(v2sf) =	vpush v5, $0x3  }
0x22: {  	(v2sf) =	vpush v5, $0x4  }
0x23: {  	(v2sf) =	vpush v5, $0x5  }
0x24: {  	(v2sf) =	vpush v5, $0x6  }
0x25: {  	(v2sf) =	vpush v5, $0x7  }
0x26: {  	(v2sf) =	vpush v5, $0x8  }
0x27: {  	(v2sf) =	vpush v5, $0x9  }
0x28: {  	(v2sf) =	vpush v5, $0xA  }
0x29: {  	v4 =	vld [tilespmem:$0x10];
	(v2sf) =	vpush v5, $0xB  }
0x2a: {  	(v2sf) =	vpush v5, $0xC  }
0x2b: {  	(v2sf) =	vpush v5, $0xD  }
0x2c: {  	(v2sf) =	vpush v5, $0xE  }
0x2d: {  	s25 =	spop (v2sf);
	(v2sf) =	vpush v5, $0xF  }
0x2e: {  	[smem:$0x0] =	sst s25;
	s26 =	spop (v2sf);
	(v2sf) =	vpush v4, $0x0  }
0x2f: {  	[smem:$0x1] =	sst s26;
	s6 =	spop (v2sf);
	(v2sf) =	vpush v4, $0x1  }
0x30: {  	[smem:$0x2] =	sst s6;
	s7 =	spop (v2sf);
	(v2sf) =	vpush v4, $0x2  }
0x31: {  	[smem:$0x3] =	sst s7;
	s8 =	spop (v2sf);
	(v2sf) =	vpush v4, $0x3  }
0x32: {  	[smem:$0x4] =	sst s8;
	s9 =	spop (v2sf);
	(v2sf) =	vpush v4, $0x4  }
0x33: {  	[smem:$0x5] =	sst s9;
	s10 =	spop (v2sf);
	(v2sf) =	vpush v4, $0x5  }
0x34: {  	[smem:$0x6] =	sst s10;
	s11 =	spop (v2sf);
	(v2sf) =	vpush v4, $0x6  }
0x35: {  	[smem:$0x7] =	sst s11;
	s12 =	spop (v2sf);
	(v2sf) =	vpush v4, $0x7  }
0x36: {  	[smem:$0x8] =	sst s12;
	s13 =	spop (v2sf);
	(v2sf) =	vpush v4, $0x8  }
0x37: {  	[smem:$0x9] =	sst s13;
	s14 =	spop (v2sf);
	(v2sf) =	vpush v4, $0x9  }
0x38: {  	[smem:$0xA] =	sst s14;
	s15 =	spop (v2sf);
	(v2sf) =	vpush v4, $0xA  }
0x39: {  	[smem:$0xB] =	sst s15;
	s16 =	spop (v2sf);
	(v2sf) =	vpush v4, $0xB  }
0x3a: {  	[smem:$0xC] =	sst s16;
	s18 =	spop (v2sf);
	(v2sf) =	vpush v4, $0xC  }
0x3b: {  	[smem:$0xD] =	sst s18;
	s22 =	spop (v2sf);
	(v2sf) =	vpush v4, $0xD  }
0x3c: {  	[smem:$0xE] =	sst s22;
	s25 =	spop (v2sf);
	(v2sf) =	vpush v4, $0xE  }
0x3d: {  	[smem:$0xF] =	sst s25;
	s26 =	spop (v2sf);
	(v2sf) =	vpush v4, $0xF  }
0x3e: {  	[smem:$0x10] =	sst s26;
	s6 =	spop (v2sf)  }
0x3f: {  	[smem:$0x11] =	sst s6;
	s7 =	spop (v2sf)  }
0x40: {  	[smem:$0x12] =	sst s7;
	s8 =	spop (v2sf)  }
0x41: {  	[smem:$0x13] =	sst s8;
	s9 =	spop (v2sf)  }
0x42: {  	[smem:$0x14] =	sst s9;
	s10 =	spop (v2sf)  }
0x43: {  	[smem:$0x15] =	sst s10;
	s11 =	spop (v2sf)  }
0x44: {  	[smem:$0x16] =	sst s11;
	s12 =	spop (v2sf)  }
0x45: {  	[smem:$0x17] =	sst s12;
	s13 =	spop (v2sf)  }
0x46: {  	[smem:$0x18] =	sst s13;
	s14 =	spop (v2sf)  }
0x47: {  	[smem:$0x19] =	sst s14;
	s15 =	spop (v2sf)  }
0x48: {  	[smem:$0x1A] =	sst s15;
	s16 =	spop (v2sf)  }
0x49: {  	[smem:$0x1B] =	sst s16;
	s18 =	spop (v2sf)  }
0x4a: {  	[smem:$0x1C] =	sst s18;
	s22 =	spop (v2sf)  }
0x4b: {  	[smem:$0x1D] =	sst s22;
	s25 =	spop (v2sf)  }
0x4c: {  	[smem:$0x1E] =	sst s25;
	s26 =	spop (v2sf)  }
0x4d: {  	s2 =	simm.s32 $0x0;
	[smem:$0x1F] =	sst s26  }
.LBB2_2:
0x4e: {  	p0 =	sne.s32 s2, $0x31C0  }
.Ltmp0:
0x4f: {  	_ = 	snop;
	(pc) =	sbr.rel @p0 .LBB2_2-.Ltmp0, $3  }
0x50: {  	_ =	sdelay $0x1  }
0x51: {  	s6 =	sshra.s32 s2, $0x2  }
0x52: {  	s2 =	sadd.s32 $0x40, s2;
	[tilespmem:s6+$0x7E00] =	vst v0  }
0x53: {  	s12 =	rddreg [dreg:$0xb]  }
0x54: {  	s2 =	simm.s32 $0x0;
	s11 =	rddreg [dreg:$0xa]  }
0x55: {  	s16 =	smov.u32 s0;
	s25 =	smov.u32 s23;
	s10 =	rddreg [dreg:$0x9]  }
0x56: {  	s14 =	smov.u32 s24;
	s13 =	smov.u32 s1;
	s9 =	rddreg [dreg:$0x8]  }
.LBB2_4:
0x57: {  	s8 =	sld [smem:s2+$0x0];
	_ =	sdelay $0x2  }
0x58: {  	s6 =	smul.u32 $0xC8, s2;
	p0 =	sgt.s32 s8, $0x18  }
.Ltmp1:
0x59: {  	_ = 	snop;
	(pc) =	sbr.rel @!p0 .LBB2_5-.Ltmp1, $4  }
0x5a: {  	_ = 	snop  }
0x5b: {  	s6 =	sadd.s32 s5, s6  }
0x5c: {  	s7 =	sshll.u32 s6, $0x7  }
0x5d: {  	s22 =	sadd.s32 $0xC80, s7  }
0x5e: {  	p0 =	sgt.u32 s8, $0x31  }
.Ltmp2:
0x5f: {  	_ = 	snop;
	(pc) =	sbr.rel @!p0 .LBB2_9-.Ltmp2, $4  }
0x60: {  	_ = 	snop  }
0x61: {  	s6 =	sshll.u32 s6, $0x4  }
0x62: {  	s22 =	sadd.s32 $0xC80, s7;
	s6 =	sadd.s32 s3, s6  }
0x63: {  	[hbm4b:s6+s4] =	stream.linear.scatter [tilespmem:s19], [sflag:$0x1], $0xC80, $0x38;
	[tilespmem:$0x8A80] =	vst v63  }
0x64: {  	p0 =	sgt.u32 s8, $0x4A  }
.Ltmp3:
0x65: {  	_ = 	snop;
	(pc) =	sbr.rel @!p0 .LBB2_21-.Ltmp3, $4  }
0x66: {  	s6 =	sshrl.u32 s22, $0x3  }
0x67: {  	s6 =	sadd.s32 s3, s6  }
0x68: {  	[hbm4b:s6+s4] =	stream.linear.scatter [tilespmem:s20], [sflag:$0x1], $0xC80, $0x38;
	[tilespmem:$0x8A80] =	vst v63  }
0x69: {  	s6 =	sadd.s32 $0x1900, s7  }
0x6a: {  	p0 =	sgt.u32 s8, $0x63  }
.Ltmp4:
0x6b: {  	_ = 	snop;
	(pc) =	sbr.rel @!p0 .LBB2_26-.Ltmp4, $4  }
0x6c: {  	s6 =	sshrl.u32 s6, $0x3  }
0x6d: {  	s6 =	sadd.s32 s3, s6  }
0x6e: {  	[hbm4b:s6+s4] =	stream.linear.scatter [tilespmem:s21], [sflag:$0x1], $0xC80, $0x38;
	[tilespmem:$0x8A80] =	vst v63  }
0x6f: {  	s6 =	sadd.s32 $0x2580, s7  }
0x70: {  	p0 =	sgt.u32 s8, $0x7C  }
.Ltmp5:
0x71: {  	_ = 	snop;
	(pc) =	sbr.rel @!p0 .LBB2_31-.Ltmp5, $4  }
0x72: {  	s6 =	sshrl.u32 s6, $0x3  }
0x73: {  	s15 =	simm.s32 $0x3F80;
	s6 =	sadd.s32 s3, s6  }
0x74: {  	[hbm4b:s6+s4] =	stream.linear.scatter [tilespmem:s15], [sflag:$0x1], $0xC80, $0x38;
	[tilespmem:$0x8A80] =	vst v63  }
0x75: {  	s6 =	sadd.s32 $0x3200, s7  }
0x76: {  	p0 =	sgt.u32 s8, $0x95  }
.Ltmp6:
0x77: {  	_ = 	snop;
	(pc) =	sbr.rel @!p0 .LBB2_36-.Ltmp6, $4  }
0x78: {  	s6 =	sshrl.u32 s6, $0x3  }
0x79: {  	s15 =	simm.s32 $0x4C00;
	s6 =	sadd.s32 s3, s6  }
0x7a: {  	[hbm4b:s6+s4] =	stream.linear.scatter [tilespmem:s15], [sflag:$0x1], $0xC80, $0x38;
	[tilespmem:$0x8A80] =	vst v63  }
0x7b: {  	s6 =	sadd.s32 $0x3E80, s7  }
0x7c: {  	p0 =	sgt.u32 s8, $0xAE  }
.Ltmp7:
0x7d: {  	_ = 	snop;
	(pc) =	sbr.rel @!p0 .LBB2_41-.Ltmp7, $4  }
0x7e: {  	s6 =	sshrl.u32 s6, $0x3  }
0x7f: {  	s15 =	simm.s32 $0x5880;
	s6 =	sadd.s32 s3, s6  }
0x80: {  	[hbm4b:s6+s4] =	stream.linear.scatter [tilespmem:s15], [sflag:$0x1], $0xC80, $0x38;
	[tilespmem:$0x8A80] =	vst v63  }
0x81: {  	s6 =	sadd.s32 $0x4B00, s7  }
0x82: {  	p0 =	sgt.u32 s8, $0xC7  }
0x83: {  	p1 =	seq.s32 @!p0 s8, $0xAF  }
0x84: {  	p1 =	por p0, p1  }
.Ltmp8:
0x85: {  	_ = 	snop;
	(pc) =	sbr.rel @!p1 .LBB2_45-.Ltmp8, $4  }
0x86: {  	_ = 	snop  }
0x87: {  	s6 =	sshrl.u32 s6, $0x3  }
0x88: {  	s15 =	simm.s32 $0x6500;
	s6 =	sadd.s32 s3, s6  }
0x89: {  	[hbm4b:s6+s4] =	stream.linear.scatter [tilespmem:s15], [sflag:$0x1], $0xC80, $0x38;
	[tilespmem:$0x8A80] =	vst v63  }
.Ltmp9:
0x8a: {  	(pc) =	sbr.rel .LBB2_48-.Ltmp9, $3  }
0x8b: {  	_ =	sdelay $0x1  }
0x8c: {  	s26 =	simm.s32 @!p0 $0x7E00  }
0x8d: {  	s26 =	simm.s32 @p0 $0x7180  }
.LBB2_5:
0x8e: {  	p0 =	sgt.s32 s8, $0x0  }
.Ltmp10:
0x8f: {  	_ = 	snop;
	(pc) =	sbr.rel @!p0 .LBB2_13-.Ltmp10, $1  }
0x90: {  	_ =	sdelay $0x3  }
0x91: {  	s6 =	simm.s32 $0x80;
	p0 =	sgt.s32 s8, $0x0  }
0x92: {  	s6 =	simm.s32 @!p0 $0x0  }
0x93: {  	s6 =	sadd.s32 $0x1980, s6  }
0x94: {  	[hbm4b:s9+s4] =	stream.linear.scatter [tilespmem:s6], [sflag:$0x1], $0x80, $0x38;
	[tilespmem:$0x8A80] =	vst v63  }
0x95: {  	s26 =	simm.s32 $0x100;
	s15 =	smov.u32 s9;
	s6 =	simm.s32 $0x1  }
.LBB2_7:
0x96: {  	p0 =	slt.s32 s6, s8  }
0x97: {  	p1 =	sne.s32 s6, $0x18;
	s6 =	sadd.s32 $0x1, s6;
	s18 =	smov.u32 s26  }
.Ltmp11:
0x98: {  	s18 =	simm.s32 @!p0 $0x0;
	(pc) =	sbr.rel @p1 .LBB2_7-.Ltmp11, $4  }
0x99: {  	s15 =	sadd.s32 $0x10, s15;
	s18 =	sadd.s32 $0x1980, s18  }
0x9a: {  	[hbm4b:s15+s4] =	stream.linear.scatter [tilespmem:s18], [sflag:$0x1], $0x80, $0x38;
	[tilespmem:$0x8A80] =	vst v63  }
0x9b: {  	_ = 	snop  }
0x9c: {  	s26 =	sadd.s32 $0x80, s26  }
.Ltmp12:
0x9d: {  	_ = 	snop;
	(pc) =	sbr.rel .LBB2_14-.Ltmp12, $1  }
0x9e: {  	_ =	sdelay $0x3  }
.LBB2_9:
0x9f: {  	p0 =	sne.s32 s8, $0x19  }
.Ltmp13:
0xa0: {  	_ = 	snop;
	(pc) =	sbr.rel @!p0 .LBB2_14-.Ltmp13, $1  }
0xa1: {  	_ =	sdelay $0x3  }
0xa2: {  	s6 =	simm.s32 $0xD00;
	p0 =	sgt.s32 s8, $0x19  }
0xa3: {  	s6 =	simm.s32 @!p0 $0x0  }
0xa4: {  	s6 =	sadd.s32 $0x1980, s6  }
0xa5: {  	[hbm4b:s10+s4] =	stream.linear.scatter [tilespmem:s6], [sflag:$0x1], $0x80, $0x38;
	[tilespmem:$0x8A80] =	vst v63  }
0xa6: {  	s22 =	simm.s32 $0x1A;
	s15 =	smov.u32 s10;
	s6 =	simm.s32 $0xD80  }
.LBB2_11:
0xa7: {  	p0 =	slt.s32 s22, s8  }
0xa8: {  	p1 =	sne.s32 s6, $0x1900;
	s18 =	smov.u32 s6;
	s6 =	sadd.s32 $0x80, s6  }
.Ltmp14:
0xa9: {  	s18 =	simm.s32 @!p0 $0x0;
	(pc) =	sbr.rel @p1 .LBB2_11-.Ltmp14, $4  }
0xaa: {  	s15 =	sadd.s32 $0x10, s15;
	s18 =	sadd.s32 $0x1980, s18  }
0xab: {  	[hbm4b:s15+s4] =	stream.linear.scatter [tilespmem:s18], [sflag:$0x1], $0x80, $0x38;
	[tilespmem:$0x8A80] =	vst v63  }
0xac: {  	_ = 	snop  }
0xad: {  	s22 =	sadd.s32 $0x1, s22  }
.Ltmp15:
0xae: {  	(pc) =	sbr.rel .LBB2_15-.Ltmp15, $2  }
0xaf: {  	_ =	sdelay $0x2  }
0xb0: {  	s6 =	sadd.s32 $0x1900, s7  }
.LBB2_13:
0xb1: {  	s6 =	sshll.u32 s6, $0x4  }
0xb2: {  	s6 =	sadd.s32 s3, s6  }
0xb3: {  	[hbm4b:s6+s4] =	stream.linear.scatter [tilespmem:s30], [sflag:$0x1], $0xC80, $0x38;
	[tilespmem:$0x8A80] =	vst v63  }
.LBB2_14:
0xb4: {  	s6 =	sshrl.u32 s22, $0x3  }
0xb5: {  	s6 =	sadd.s32 s3, s6  }
0xb6: {  	[hbm4b:s6+s4] =	stream.linear.scatter [tilespmem:s30], [sflag:$0x1], $0xC80, $0x38;
	[tilespmem:$0x8A80] =	vst v63  }
0xb7: {  	s6 =	sadd.s32 $0x1900, s7  }
.LBB2_15:
0xb8: {  	s6 =	sshrl.u32 s6, $0x3  }
0xb9: {  	s6 =	sadd.s32 s3, s6  }
0xba: {  	[hbm4b:s6+s4] =	stream.linear.scatter [tilespmem:s30], [sflag:$0x1], $0xC80, $0x38;
	[tilespmem:$0x8A80] =	vst v63  }
0xbb: {  	s6 =	sadd.s32 $0x2580, s7  }
.LBB2_16:
0xbc: {  	s6 =	sshrl.u32 s6, $0x3  }
0xbd: {  	s6 =	sadd.s32 s3, s6  }
0xbe: {  	[hbm4b:s6+s4] =	stream.linear.scatter [tilespmem:s30], [sflag:$0x1], $0xC80, $0x38;
	[tilespmem:$0x8A80] =	vst v63  }
0xbf: {  	s6 =	sadd.s32 $0x3200, s7  }
.LBB2_17:
0xc0: {  	s6 =	sshrl.u32 s6, $0x3  }
0xc1: {  	s6 =	sadd.s32 s3, s6  }
0xc2: {  	[hbm4b:s6+s4] =	stream.linear.scatter [tilespmem:s30], [sflag:$0x1], $0xC80, $0x38;
	[tilespmem:$0x8A80] =	vst v63  }
0xc3: {  	s6 =	sadd.s32 $0x3E80, s7  }
.LBB2_18:
0xc4: {  	s6 =	sshrl.u32 s6, $0x3  }
0xc5: {  	s6 =	sadd.s32 s3, s6  }
0xc6: {  	[hbm4b:s6+s4] =	stream.linear.scatter [tilespmem:s30], [sflag:$0x1], $0xC80, $0x38;
	[tilespmem:$0x8A80] =	vst v63  }
0xc7: {  	s6 =	sadd.s32 $0x4B00, s7  }
.LBB2_19:
0xc8: {  	s6 =	sshrl.u32 s6, $0x3  }
0xc9: {  	s26 =	simm.s32 $0x7E00;
	s6 =	sadd.s32 s3, s6  }
0xca: {  	[hbm4b:s6+s4] =	stream.linear.scatter [tilespmem:s26], [sflag:$0x1], $0xC80, $0x38;
	[tilespmem:$0x8A80] =	vst v63  }
.LBB2_48:
0xcb: {  	s6 =	sshrl.u32 s7, $0x3  }
0xcc: {  	s6 =	sadd.s32 s3, s6  }
0xcd: {  	s6 =	sadd.s32 $0xAF0, s6  }
0xce: {  	[hbm4b:s6+s4] =	stream.linear.scatter [tilespmem:s26], [sflag:$0x1], $0xC80, $0x38;
	[tilespmem:$0x8A80] =	vst v63  }
.LBB2_49:
0xcf: {  	s2 =	sadd.s32 $0x1, s2  }
0xd0: {  	p0 =	sne.s32 s2, $0x20  }
.Ltmp16:
0xd1: {  	_ = 	snop;
	(pc) =	sbr.rel @p0 .LBB2_4-.Ltmp16, $4  }
.Ltmp17:
0xd2: {  	_ = 	snop;
	(pc) =	sbr.rel @!p0 .LBB2_50-.Ltmp17, $4  }
0xd3: {  	s9 =	sadd.s32 $0xC80, s9;
	s10 =	sadd.s32 $0xC80, s10  }
0xd4: {  	s11 =	sadd.s32 $0xC80, s11;
	s12 =	sadd.s32 $0xC80, s12;
	s13 =	sadd.s32 $0xC80, s13  }
0xd5: {  	s14 =	sadd.s32 $0xC80, s14;
	s25 =	sadd.s32 $0xC80, s25;
	s16 =	sadd.s32 $0xC80, s16  }
0xd6: {  	_ = 	snop  }
.LBB2_21:
0xd7: {  	p0 =	sne.s32 s8, $0x32  }
.Ltmp18:
0xd8: {  	_ = 	snop;
	(pc) =	sbr.rel @!p0 .LBB2_15-.Ltmp18, $1  }
0xd9: {  	_ =	sdelay $0x3  }
0xda: {  	s6 =	simm.s32 $0x1980;
	p0 =	sgt.s32 s8, $0x32  }
0xdb: {  	s6 =	simm.s32 @!p0 $0x0  }
0xdc: {  	s6 =	sadd.s32 $0x1980, s6  }
0xdd: {  	[hbm4b:s11+s4] =	stream.linear.scatter [tilespmem:s6], [sflag:$0x1], $0x80, $0x38;
	[tilespmem:$0x8A80] =	vst v63  }
0xde: {  	s22 =	simm.s32 $0x33;
	s15 =	smov.u32 s11;
	s6 =	simm.s32 $0x1A00  }
.LBB2_23:
0xdf: {  	p0 =	slt.s32 s22, s8  }
0xe0: {  	p1 =	sne.s32 s6, $0x2580;
	s18 =	smov.u32 s6;
	s6 =	sadd.s32 $0x80, s6  }
.Ltmp19:
0xe1: {  	s18 =	simm.s32 @!p0 $0x0;
	(pc) =	sbr.rel @p1 .LBB2_23-.Ltmp19, $4  }
0xe2: {  	s15 =	sadd.s32 $0x10, s15;
	s18 =	sadd.s32 $0x1980, s18  }
0xe3: {  	[hbm4b:s15+s4] =	stream.linear.scatter [tilespmem:s18], [sflag:$0x1], $0x80, $0x38;
	[tilespmem:$0x8A80] =	vst v63  }
0xe4: {  	_ = 	snop  }
0xe5: {  	s22 =	sadd.s32 $0x1, s22  }
.Ltmp20:
0xe6: {  	(pc) =	sbr.rel .LBB2_16-.Ltmp20, $2  }
0xe7: {  	_ =	sdelay $0x2  }
0xe8: {  	s6 =	sadd.s32 $0x2580, s7  }
.LBB2_26:
0xe9: {  	p0 =	sne.s32 s8, $0x4B  }
.Ltmp21:
0xea: {  	_ = 	snop;
	(pc) =	sbr.rel @!p0 .LBB2_16-.Ltmp21, $1  }
0xeb: {  	_ =	sdelay $0x3  }
0xec: {  	s6 =	simm.s32 $0x2600;
	p0 =	sgt.s32 s8, $0x4B  }
0xed: {  	s6 =	simm.s32 @!p0 $0x0  }
0xee: {  	s6 =	sadd.s32 $0x1980, s6  }
0xef: {  	[hbm4b:s12+s4] =	stream.linear.scatter [tilespmem:s6], [sflag:$0x1], $0x80, $0x38;
	[tilespmem:$0x8A80] =	vst v63  }
0xf0: {  	s22 =	simm.s32 $0x4C;
	s15 =	smov.u32 s12;
	s6 =	simm.s32 $0x2680  }
.LBB2_28:
0xf1: {  	p0 =	slt.s32 s22, s8  }
0xf2: {  	p1 =	sne.s32 s6, $0x3200;
	s18 =	smov.u32 s6;
	s6 =	sadd.s32 $0x80, s6  }
.Ltmp22:
0xf3: {  	s18 =	simm.s32 @!p0 $0x0;
	(pc) =	sbr.rel @p1 .LBB2_28-.Ltmp22, $4  }
0xf4: {  	s15 =	sadd.s32 $0x10, s15;
	s18 =	sadd.s32 $0x1980, s18  }
0xf5: {  	[hbm4b:s15+s4] =	stream.linear.scatter [tilespmem:s18], [sflag:$0x1], $0x80, $0x38;
	[tilespmem:$0x8A80] =	vst v63  }
0xf6: {  	_ = 	snop  }
0xf7: {  	s22 =	sadd.s32 $0x1, s22  }
.Ltmp23:
0xf8: {  	(pc) =	sbr.rel .LBB2_17-.Ltmp23, $2  }
0xf9: {  	_ =	sdelay $0x2  }
0xfa: {  	s6 =	sadd.s32 $0x3200, s7  }
.LBB2_31:
0xfb: {  	p0 =	sne.s32 s8, $0x64  }
.Ltmp24:
0xfc: {  	_ = 	snop;
	(pc) =	sbr.rel @!p0 .LBB2_17-.Ltmp24, $1  }
0xfd: {  	_ =	sdelay $0x3  }
0xfe: {  	s6 =	simm.s32 $0x3280;
	p0 =	sgt.s32 s8, $0x64  }
0xff: {  	s6 =	simm.s32 @!p0 $0x0  }
0x100: {  	s6 =	sadd.s32 $0x1980, s6  }
0x101: {  	[hbm4b:s13+s4] =	stream.linear.scatter [tilespmem:s6], [sflag:$0x1], $0x80, $0x38;
	[tilespmem:$0x8A80] =	vst v63  }
0x102: {  	s22 =	simm.s32 $0x65;
	s15 =	smov.u32 s13;
	s6 =	simm.s32 $0x3300  }
.LBB2_33:
0x103: {  	p0 =	slt.s32 s22, s8  }
0x104: {  	p1 =	sne.s32 s6, $0x3E80;
	s18 =	smov.u32 s6;
	s6 =	sadd.s32 $0x80, s6  }
.Ltmp25:
0x105: {  	s18 =	simm.s32 @!p0 $0x0;
	(pc) =	sbr.rel @p1 .LBB2_33-.Ltmp25, $4  }
0x106: {  	s15 =	sadd.s32 $0x10, s15;
	s18 =	sadd.s32 $0x1980, s18  }
0x107: {  	[hbm4b:s15+s4] =	stream.linear.scatter [tilespmem:s18], [sflag:$0x1], $0x80, $0x38;
	[tilespmem:$0x8A80] =	vst v63  }
0x108: {  	_ = 	snop  }
0x109: {  	s22 =	sadd.s32 $0x1, s22  }
.Ltmp26:
0x10a: {  	(pc) =	sbr.rel .LBB2_18-.Ltmp26, $2  }
0x10b: {  	_ =	sdelay $0x2  }
0x10c: {  	s6 =	sadd.s32 $0x3E80, s7  }
.LBB2_36:
0x10d: {  	p0 =	sne.s32 s8, $0x7D  }
.Ltmp27:
0x10e: {  	_ = 	snop;
	(pc) =	sbr.rel @!p0 .LBB2_18-.Ltmp27, $1  }
0x10f: {  	_ =	sdelay $0x3  }
0x110: {  	s6 =	simm.s32 $0x3F00;
	p0 =	sgt.s32 s8, $0x7D  }
0x111: {  	s6 =	simm.s32 @!p0 $0x0  }
0x112: {  	s6 =	sadd.s32 $0x1980, s6  }
0x113: {  	[hbm4b:s14+s4] =	stream.linear.scatter [tilespmem:s6], [sflag:$0x1], $0x80, $0x38;
	[tilespmem:$0x8A80] =	vst v63  }
0x114: {  	s22 =	simm.s32 $0x7E;
	s15 =	smov.u32 s14;
	s6 =	simm.s32 $0x3F80  }
.LBB2_38:
0x115: {  	p0 =	slt.s32 s22, s8  }
0x116: {  	p1 =	sne.s32 s6, $0x4B00;
	s18 =	smov.u32 s6;
	s6 =	sadd.s32 $0x80, s6  }
.Ltmp28:
0x117: {  	s18 =	simm.s32 @!p0 $0x0;
	(pc) =	sbr.rel @p1 .LBB2_38-.Ltmp28, $4  }
0x118: {  	s15 =	sadd.s32 $0x10, s15;
	s18 =	sadd.s32 $0x1980, s18  }
0x119: {  	[hbm4b:s15+s4] =	stream.linear.scatter [tilespmem:s18], [sflag:$0x1], $0x80, $0x38;
	[tilespmem:$0x8A80] =	vst v63  }
0x11a: {  	_ = 	snop  }
0x11b: {  	s22 =	sadd.s32 $0x1, s22  }
.Ltmp29:
0x11c: {  	(pc) =	sbr.rel .LBB2_19-.Ltmp29, $2  }
0x11d: {  	_ =	sdelay $0x2  }
0x11e: {  	s6 =	sadd.s32 $0x4B00, s7  }
.LBB2_41:
0x11f: {  	p0 =	sne.s32 s8, $0x96  }
.Ltmp30:
0x120: {  	_ = 	snop;
	(pc) =	sbr.rel @!p0 .LBB2_19-.Ltmp30, $1  }
0x121: {  	_ =	sdelay $0x3  }
0x122: {  	s6 =	simm.s32 $0x4B80;
	p0 =	sgt.s32 s8, $0x96  }
0x123: {  	s6 =	simm.s32 @!p0 $0x0  }
0x124: {  	s6 =	sadd.s32 $0x1980, s6  }
0x125: {  	[hbm4b:s25+s4] =	stream.linear.scatter [tilespmem:s6], [sflag:$0x1], $0x80, $0x38;
	[tilespmem:$0x8A80] =	vst v63  }
0x126: {  	s22 =	simm.s32 $0x4C00;
	s15 =	smov.u32 s25;
	s6 =	simm.s32 $0x97  }
.LBB2_43:
0x127: {  	p0 =	slt.s32 s6, s8  }
0x128: {  	p1 =	seq.s32 s22, $0x5780;
	s18 =	smov.u32 s22;
	s22 =	sadd.s32 $0x80, s22  }
.Ltmp31:
0x129: {  	s18 =	simm.s32 @!p0 $0x0;
	(pc) =	sbr.rel @!p1 .LBB2_43-.Ltmp31, $4  }
0x12a: {  	s26 =	simm.s32 $0x7E00;
	s15 =	sadd.s32 $0x10, s15;
	s18 =	sadd.s32 $0x1980, s18  }
0x12b: {  	[hbm4b:s15+s4] =	stream.linear.scatter [tilespmem:s18], [sflag:$0x1], $0x80, $0x38;
	[tilespmem:$0x8A80] =	vst v63  }
0x12c: {  	_ = 	snop  }
0x12d: {  	s6 =	sadd.s32 $0x1, s6  }
.Ltmp32:
0x12e: {  	_ = 	snop;
	(pc) =	sbr.rel .LBB2_48-.Ltmp32, $1  }
0x12f: {  	_ =	sdelay $0x3  }
.LBB2_45:
0x130: {  	s6 =	simm.s32 @!p0 $0x5800;
	p0 =	sgt.s32 s8, $0xAF  }
0x131: {  	s6 =	simm.s32 @!p0 $0x0  }
0x132: {  	s6 =	sadd.s32 $0x1980, s6  }
0x133: {  	[hbm4b:s16+s4] =	stream.linear.scatter [tilespmem:s6], [sflag:$0x1], $0x80, $0x38;
	[tilespmem:$0x8A80] =	vst v63  }
0x134: {  	s7 =	simm.s32 $0xB0;
	s15 =	smov.u32 s16;
	s6 =	simm.s32 $0x5880  }
.LBB2_46:
0x135: {  	p0 =	slt.s32 s7, s8  }
0x136: {  	p1 =	seq.s32 s6, $0x6400;
	s18 =	smov.u32 s6;
	s6 =	sadd.s32 $0x80, s6  }
.Ltmp33:
0x137: {  	s18 =	simm.s32 @!p0 $0x0;
	(pc) =	sbr.rel @!p1 .LBB2_46-.Ltmp33, $4  }
0x138: {  	s15 =	sadd.s32 $0x10, s15;
	s18 =	sadd.s32 $0x1980, s18  }
0x139: {  	[hbm4b:s15+s4] =	stream.linear.scatter [tilespmem:s18], [sflag:$0x1], $0x80, $0x38;
	[tilespmem:$0x8A80] =	vst v63  }
0x13a: {  	_ = 	snop  }
0x13b: {  	s7 =	sadd.s32 $0x1, s7  }
.Ltmp34:
0x13c: {  	_ = 	snop;
	(pc) =	sbr.rel .LBB2_49-.Ltmp34, $1  }
0x13d: {  	_ =	sdelay $0x3  }
.LBB2_50:
0x13e: {  	v13 =	vbroadcast v5, $0x0;
	v14 =	vbroadcast v5, $0x1  }
0x13f: {  	v15 =	vbroadcast v5, $0x2;
	v16 =	vbroadcast v5, $0x3  }
0x140: {  	v17 =	vbroadcast v5, $0x4;
	v18 =	vbroadcast v5, $0x5  }
0x141: {  	v19 =	vbroadcast v5, $0x6;
	v20 =	vbroadcast v5, $0x7  }
0x142: {  	v22 =	vbroadcast v5, $0x8;
	v23 =	vbroadcast v5, $0x9  }
0x143: {  	v24 =	vbroadcast v5, $0xA;
	v25 =	vbroadcast v5, $0xB  }
0x144: {  	v26 =	vbroadcast v5, $0xC;
	v27 =	vbroadcast v5, $0xD  }
0x145: {  	v28 =	vbroadcast v5, $0xE;
	v29 =	vbroadcast v5, $0xF  }
0x146: {  	v30 =	vbroadcast v4, $0x0;
	v31 =	vbroadcast v4, $0x1  }
0x147: {  	v8 =	vbroadcast v4, $0x2;
	v10 =	vbroadcast v4, $0x3  }
0x148: {  	v5 =	vbroadcast v4, $0x4;
	v6 =	vbroadcast v4, $0x5  }
0x149: {  	v7 =	vbroadcast v4, $0x6;
	v9 =	vbroadcast v4, $0x7  }
0x14a: {  	v11 =	vbroadcast v4, $0x8;
	v12 =	vbroadcast v4, $0x9  }
0x14b: {  	s8 =	simm.s32 $0x0;
	v32 =	vbroadcast v4, $0xA;
	v33 =	vbroadcast v4, $0xB  }
0x14c: {  	v34 =	vbroadcast v4, $0xC;
	v35 =	vbroadcast v4, $0xD;
	s2 =	simm.s32 $0x10;
	v21 =	vmov s8  }
0x14d: {  	v60 =	vmov s2;
	vm0 =	vgt.u32 v21, v1;
	v21 =	vbroadcast v4, $0xE  }
0x14e: {  	v4 =	vbroadcast v4, $0xF;
	v36 =	vsel vm0, v3, v2;
	v37 =	vsel vm0, v14, v13  }
0x14f: {  	v61 =	vsel vm0, v33, v32;
	v38 =	vsel vm0, v18, v17;
	v39 =	vsel vm0, v35, v34  }
0x150: {  	v62 =	vsel vm0, v23, v22;
	v40 =	vsel vm0, v16, v15;
	v41 =	vsel vm0, v31, v30  }
0x151: {  	v43 =	vsel vm0, v20, v19;
	v45 =	vsel vm0, v27, v26;
	v46 =	vsel vm0, v29, v28  }
0x152: {  	v47 =	vsel vm0, v25, v24;
	v54 =	vsel vm0, v10, v8;
	v57 =	vsel vm0, v6, v5  }
0x153: {  	v58 =	vsel vm0, v12, v11;
	v59 =	vsel vm0, v9, v7;
	v44 =	vadd.s32 s8, v36  }
0x154: {  	v55 =	vsel vm0, v4, v21;
	vm1 =	vgt.s32 v44, v37;
	vm2 =	vgt.s32 v44, v45  }
0x155: {  	vm3 =	vgt.s32 v44, v40;
	vm4 =	vgt.s32 v44, v62;
	vm5 =	vgt.s32 v44, v46  }
0x156: {  	vm0 =	vgt.s32 v44, v58;
	v42 =	vsel vm1, $0x0, v44;
	vm1 =	vgt.s32 v44, v43  }
0x157: {  	v63 =	vsel vm3, $0x0, v44;
	v45 =	vsel vm4, $0x0, v44;
	v48 =	vsel vm2, $0x0, v44  }
0x158: {  	vm2 =	vgt.s32 v44, v38;
	vm3 =	vgt.s32 v44, v41;
	vm4 =	vgt.s32 v44, v54  }
0x159: {  	v49 =	vsel vm5, $0x0, v44;
	v50 =	vsel vm2, $0x0, v44;
	v52 =	vsel vm3, $0x0, v44  }
0x15a: {  	s7 =	simm.s32 $0xE90;
	v37 =	vsel vm4, $0x0, v44;
	vm2 =	vgt.s32 v44, v39;
	v56 =	vsel vm1, $0x0, v44  }
0x15b: {  	vm1 =	vgt.s32 v44, v55;
	[tilespmem:s7+$0xFFFFF830] =	vst v45;
	v45 =	vsel vm0, $0x0, v44;
	vm0 =	vgt.u32 v60, v1  }
0x15c: {  	[tilespmem:s7+$0xFFFFF1F0] =	vst v42;
	v39 =	vsel vm2, $0x0, v44;
	vm2 =	vgt.s32 v44, v61;
	v53 =	vsel vm1, $0x0, v44  }
0x15d: {  	[tilespmem:s7+$0xFFFFFB50] =	vst v48;
	vm1 =	vgt.s32 v44, v57;
	v36 =	vsel vm0, v3, v2;
	v61 =	vsel vm0, v14, v13  }
0x15e: {  	[tilespmem:s7+$0xFFFFFCE0] =	vst v49;
	v38 =	vsel vm0, v33, v32;
	v42 =	vsel vm0, v35, v34;
	v49 =	vsel vm0, v23, v22  }
0x15f: {  	[tilespmem:s7+$0xFFFFF510] =	vst v50;
	v50 =	vsel vm0, v16, v15;
	v40 =	vsel vm1, $0x0, v44;
	vm1 =	vgt.s32 v44, v59  }
0x160: {  	[tilespmem:s7+$0xFFFFF380] =	vst v63;
	v48 =	vsel vm0, v31, v30;
	v43 =	vsel vm1, $0x0, v44;
	vm1 =	vgt.s32 v44, v47  }
0x161: {  	[tilespmem:s7+$0xFFFFF6A0] =	vst v56;
	v63 =	vsel vm0, v20, v19;
	v54 =	vsel vm0, v27, v26;
	v62 =	vsel vm1, $0x0, v44  }
0x162: {  	s6 =	sand.u32 $0x1F0, s8;
	v51 =	vsel vm0, v29, v28;
	v46 =	vsel vm0, v25, v24;
	v36 =	vadd.s32 s2, v36;
	[tilespmem:s7+$0xFFFFF9C0] =	vst v62  }
0x163: {  	v41 =	vsel vm2, $0x0, v44;
	v47 =	vsel vm0, v18, v17;
	vm2 =	vgt.s32 v36, v61;
	[tilespmem:s6+$0xD00] =	vst v52  }
0x164: {  	s9 =	simm.s32 $0x20;
	s10 =	simm.s32 $0xEA0;
	s8 =	simm.s32 $0xEA0;
	vm3 =	vgt.s32 v36, v54;
	v44 =	vsel vm2, $0x0, v36;
	vm1 =	vgt.s32 v36, v63;
	[tilespmem:s7+$0x960] =	vst v53  }
.LBB2_51:
0x165: {  	p0 =	sne.s32 s9, $0x180  }
0x166: {  	vm4 =	vgt.s32 v36, v50;
	vm5 =	vgt.s32 v36, v49;
	vm2 =	vgt.s32 v36, v51;
	s10 =	sadd.s32 $0x10, s10;
	[tilespmem:s7+$0x7D0] =	vst v39;
	s11 =	smov.u32 s9;
	s9 =	sadd.s32 $0x10, s9  }
0x167: {  	v51 =	vsel vm3, $0x0, v36;
	v49 =	vsel vm4, $0x0, v36;
	v50 =	vsel vm5, $0x0, v36;
	[tilespmem:s7+$0x640] =	vst v41  }
0x168: {  	vm3 =	vgt.s32 v36, v47;
	v39 =	vsel vm0, v10, v8;
	vm4 =	vgt.s32 v36, v48;
	[tilespmem:s7+$0x4B0] =	vst v45  }
0x169: {  	v48 =	vsel vm3, $0x0, v36;
	vm3 =	vgt.s32 v36, v39;
	v52 =	vsel vm4, $0x0, v36;
	[tilespmem:s7+$0x0] =	vst v37  }
0x16a: {  	v41 =	vsel vm0, v4, v21;
	v37 =	vsel vm3, $0x0, v36;
	vm3 =	vgt.s32 v36, v42;
	[tilespmem:s7+$0x320] =	vst v43  }
0x16b: {  	v42 =	vsel vm1, $0x0, v36;
	vm1 =	vgt.s32 v36, v41;
	v39 =	vsel vm3, $0x0, v36;
	[tilespmem:s7+$0x190] =	vst v40;
	s7 =	smov.u32 s8;
	s8 =	smov.u32 s10  }
0x16c: {  	v53 =	vsel vm2, $0x0, v36;
	vm2 =	vgt.s32 v36, v38;
	v54 =	vsel vm1, $0x0, v36;
	[tilespmem:s7+$0xFFFFF6A0] =	vst v42  }
0x16d: {  	v38 =	vsel vm0, v6, v5;
	v41 =	vsel vm2, $0x0, v36;
	v40 =	vsel vm0, v12, v11;
	[tilespmem:s7+$0xFFFFF830] =	vst v50  }
0x16e: {  	vm1 =	vgt.s32 v36, v38;
	v38 =	vsel vm0, v9, v7;
	vm0 =	vgt.s32 v36, v40  }
0x16f: {  	v40 =	vsel vm1, $0x0, v36;
	vm1 =	vgt.s32 v36, v38;
	v45 =	vsel vm0, $0x0, v36  }
0x170: {  	v38 =	vmov s11;
	v43 =	vsel vm1, $0x0, v36;
	[tilespmem:s7+$0xFFFFF1F0] =	vst v44  }
0x171: {  	vm0 =	vgt.u32 v38, v1;
	vm1 =	vgt.s32 v36, v46;
	[tilespmem:s7+$0xFFFFFB50] =	vst v51  }
0x172: {  	v42 =	vsel vm0, v3, v2;
	v38 =	vsel vm0, v33, v32;
	v44 =	vsel vm0, v14, v13;
	[tilespmem:s7+$0xFFFFF380] =	vst v49  }
.Ltmp35:
0x173: {  	v47 =	vsel vm0, v18, v17;
	v46 =	vadd.s32 s11, v42;
	v42 =	vsel vm0, v35, v34;
	[tilespmem:s7+$0xFFFFFCE0] =	vst v53;
	(pc) =	sbr.rel @p0 .LBB2_51-.Ltmp35, $4  }
0x174: {  	vm2 =	vgt.s32 v46, v44;
	v51 =	vsel vm1, $0x0, v36;
	v36 =	vmovc v46;
	v49 =	vsel vm0, v23, v22;
	[tilespmem:s7+$0xFFFFF510] =	vst v48  }
0x175: {  	s6 =	sand.u32 $0x1F0, s2;
	s2 =	smov.u32 s11;
	v50 =	vsel vm0, v16, v15;
	v44 =	vsel vm2, $0x0, v36;
	v48 =	vsel vm0, v31, v30;
	[tilespmem:s7+$0xFFFFF9C0] =	vst v51  }
0x176: {  	v46 =	vsel vm0, v20, v19;
	v53 =	vsel vm0, v27, v26;
	v51 =	vsel vm0, v29, v28;
	[tilespmem:s6+$0xD00] =	vst v52  }
0x177: {  	vm1 =	vgt.s32 v36, v46;
	v46 =	vsel vm0, v25, v24;
	vm3 =	vgt.s32 v36, v53;
	[tilespmem:s7+$0x960] =	vst v54  }
0x178: {  	[tilespmem:s7+$0x7D0] =	vst v39  }
0x179: {  	[tilespmem:s7+$0x640] =	vst v41  }
0x17a: {  	[tilespmem:s7+$0x4B0] =	vst v45  }
0x17b: {  	[tilespmem:s7+$0x0] =	vst v37  }
0x17c: {  	[tilespmem:s7+$0x320] =	vst v43  }
0x17d: {  	[tilespmem:s7+$0x190] =	vst v40  }
0x17e: {  	v13 =	vsel vm1, $0x0, v36;
	[tilespmem:s8+$0xFFFFF1F0] =	vst v44  }
0x17f: {  	vm2 =	vgt.s32 v36, v49;
	v54 =	vsel vm3, $0x0, v36;
	[tilespmem:s8+$0xFFFFF6A0] =	vst v13  }
0x180: {  	vm4 =	vgt.s32 v36, v50;
	v14 =	vsel vm2, $0x0, v36;
	[tilespmem:s8+$0xFFFFFB50] =	vst v54  }
0x181: {  	vm5 =	vgt.s32 v36, v51;
	v55 =	vsel vm4, $0x0, v36;
	[tilespmem:s8+$0xFFFFF830] =	vst v14  }
0x182: {  	vm6 =	vgt.s32 v36, v47;
	v56 =	vsel vm5, $0x0, v36;
	[tilespmem:s8+$0xFFFFF380] =	vst v55  }
0x183: {  	vm7 =	vgt.s32 v36, v46;
	v57 =	vsel vm6, $0x0, v36;
	[tilespmem:s8+$0xFFFFFCE0] =	vst v56  }
0x184: {  	vm8 =	vgt.s32 v36, v48;
	v4 =	vsel vm0, v4, v21;
	v58 =	vsel vm7, $0x0, v36;
	[tilespmem:s8+$0xFFFFF510] =	vst v57  }
0x185: {  	s2 =	sand.u32 $0x1F0, s2;
	v59 =	vsel vm8, $0x0, v36;
	vm9 =	vgt.s32 v36, v4;
	[tilespmem:s8+$0xFFFFF9C0] =	vst v58  }
0x186: {  	vm10 =	vgt.s32 v36, v42;
	v4 =	vsel vm9, $0x0, v36;
	[tilespmem:s2+$0xD00] =	vst v59  }
0x187: {  	vm11 =	vgt.s32 v36, v38;
	v11 =	vsel vm0, v12, v11;
	v60 =	vsel vm10, $0x0, v36;
	[tilespmem:s8+$0x960] =	vst v4  }
0x188: {  	v5 =	vsel vm0, v6, v5;
	v61 =	vsel vm11, $0x0, v36;
	vm12 =	vgt.s32 v36, v11;
	[tilespmem:s8+$0x7D0] =	vst v60  }
0x189: {  	vm15 =	vgt.s32 v36, v5;
	v62 =	vsel vm12, $0x0, v36;
	v4 =	vsel vm0, v10, v8;
	[tilespmem:s8+$0x640] =	vst v61  }
0x18a: {  	v5 =	vsel vm15, $0x0, v36;
	[tilespmem:s8+$0x4B0] =	vst v62;
	vm13 =	vgt.s32 v36, v4;
	v4 =	vsel vm0, v9, v7  }
0x18b: {  	[tilespmem:s8+$0x190] =	vst v5;
	v63 =	vsel vm13, $0x0, v36;
	vm14 =	vgt.s32 v36, v4  }
0x18c: {  	v4 =	vsel vm14, $0x0, v36;
	[tilespmem:s8+$0x0] =	vst v63  }
0x18d: {  	s25 =	rddreg [dreg:$0x6];
	s6 =	simm.s32 $0x80;
	[tilespmem:s8+$0x320] =	vst v4  }
0x18e: {  	[hbm4b:s25+s4] =	stream.linear.scatter [tilespmem:s6], [sflag:$0x2], $0x1900, $0x38;
	[tilespmem:$0x8A80] =	vst v63  }
0x18f: {  	_ =	swait.ge [sflag:s28], $0x6400  }
0x190: {  	[sflag:s28] =	ssyncset.done $0x0  }
0x191: {  	[sflag:s28] =	ssyncadd.s32 $0xFFFF9C00  }
0x192: {  	_ =	swait.ge [sflag:s28], $0x6400  }
0x193: {  	[sflag:s28] =	ssyncset.done $0x0  }
0x194: {  	[sflag:s28] =	ssyncadd.s32 $0xFFFF9C00  }
0x195: {  	_ =	swait.ge [sflag:s28], $0x6400  }
0x196: {  	[sflag:s28] =	ssyncset.done $0x0  }
0x197: {  	[sflag:s28] =	ssyncadd.s32 $0xFFFF9C00  }
0x198: {  	_ =	swait.ge [sflag:s28], $0x6400  }
0x199: {  	[sflag:s28] =	ssyncset.done $0x0  }
0x19a: {  	[sflag:s28] =	ssyncadd.s32 $0xFFFF9C00  }
0x19b: {  	_ =	swait.ge [sflag:s28], $0x6400  }
0x19c: {  	[sflag:s28] =	ssyncset.done $0x0  }
0x19d: {  	[sflag:s28] =	ssyncadd.s32 $0xFFFF9C00  }
0x19e: {  	_ =	swait.ge [sflag:s28], $0x6400  }
0x19f: {  	[sflag:s28] =	ssyncset.done $0x0  }
0x1a0: {  	[sflag:s28] =	ssyncadd.s32 $0xFFFF9C00  }
0x1a1: {  	_ =	swait.ge [sflag:s28], $0x6400  }
0x1a2: {  	[sflag:s28] =	ssyncset.done $0x0  }
0x1a3: {  	[sflag:s28] =	ssyncadd.s32 $0xFFFF9C00  }
0x1a4: {  	_ =	swait.ge [sflag:s28], $0x6400  }
0x1a5: {  	[sflag:s28] =	ssyncset.done $0x0  }
0x1a6: {  	[sflag:s28] =	ssyncadd.s32 $0xFFFF9C00  }
0x1a7: {  	_ =	swait.ge [sflag:s28], $0x6400  }
0x1a8: {  	[sflag:s28] =	ssyncset.done $0x0  }
0x1a9: {  	[sflag:s28] =	ssyncadd.s32 $0xFFFF9C00  }
0x1aa: {  	_ =	swait.ge [sflag:s28], $0x6400  }
0x1ab: {  	[sflag:s28] =	ssyncset.done $0x0  }
0x1ac: {  	[sflag:s28] =	ssyncadd.s32 $0xFFFF9C00  }
0x1ad: {  	_ =	swait.ge [sflag:s28], $0x6400  }
0x1ae: {  	[sflag:s28] =	ssyncset.done $0x0  }
0x1af: {  	[sflag:s28] =	ssyncadd.s32 $0xFFFF9C00  }
0x1b0: {  	_ =	swait.ge [sflag:s28], $0x6400  }
0x1b1: {  	[sflag:s28] =	ssyncset.done $0x0  }
0x1b2: {  	[sflag:s28] =	ssyncadd.s32 $0xFFFF9C00  }
0x1b3: {  	_ =	swait.ge [sflag:s28], $0x6400  }
0x1b4: {  	[sflag:s28] =	ssyncset.done $0x0  }
0x1b5: {  	[sflag:s28] =	ssyncadd.s32 $0xFFFF9C00  }
0x1b6: {  	_ =	swait.ge [sflag:s28], $0x6400  }
0x1b7: {  	[sflag:s28] =	ssyncset.done $0x0  }
0x1b8: {  	[sflag:s28] =	ssyncadd.s32 $0xFFFF9C00  }
0x1b9: {  	_ =	swait.ge [sflag:s28], $0x6400  }
0x1ba: {  	[sflag:s28] =	ssyncset.done $0x0  }
0x1bb: {  	[sflag:s28] =	ssyncadd.s32 $0xFFFF9C00  }
0x1bc: {  	_ =	swait.ge [sflag:s28], $0x6400  }
0x1bd: {  	[sflag:s28] =	ssyncset.done $0x0  }
0x1be: {  	[sflag:s28] =	ssyncadd.s32 $0xFFFF9C00  }
0x1bf: {  	_ =	swait.ge [sflag:s28], $0x6400  }
0x1c0: {  	[sflag:s28] =	ssyncset.done $0x0  }
0x1c1: {  	[sflag:s28] =	ssyncadd.s32 $0xFFFF9C00  }
0x1c2: {  	_ =	swait.ge [sflag:s28], $0x6400  }
0x1c3: {  	[sflag:s28] =	ssyncset.done $0x0  }
0x1c4: {  	[sflag:s28] =	ssyncadd.s32 $0xFFFF9C00  }
0x1c5: {  	_ =	swait.ge [sflag:s28], $0x6400  }
0x1c6: {  	[sflag:s28] =	ssyncset.done $0x0  }
0x1c7: {  	[sflag:s28] =	ssyncadd.s32 $0xFFFF9C00  }
0x1c8: {  	_ =	swait.ge [sflag:s28], $0x6400  }
0x1c9: {  	[sflag:s28] =	ssyncset.done $0x0  }
0x1ca: {  	[sflag:s28] =	ssyncadd.s32 $0xFFFF9C00  }
0x1cb: {  	_ =	swait.ge [sflag:s28], $0x6400  }
0x1cc: {  	[sflag:s28] =	ssyncset.done $0x0  }
0x1cd: {  	[sflag:s28] =	ssyncadd.s32 $0xFFFF9C00  }
0x1ce: {  	_ =	swait.ge [sflag:s28], $0x6400  }
0x1cf: {  	[sflag:s28] =	ssyncset.done $0x0  }
0x1d0: {  	[sflag:s28] =	ssyncadd.s32 $0xFFFF9C00  }
0x1d1: {  	_ =	swait.ge [sflag:s28], $0x6400  }
0x1d2: {  	[sflag:s28] =	ssyncset.done $0x0  }
0x1d3: {  	[sflag:s28] =	ssyncadd.s32 $0xFFFF9C00  }
0x1d4: {  	_ =	swait.ge [sflag:s28], $0x6400  }
0x1d5: {  	[sflag:s28] =	ssyncset.done $0x0  }
0x1d6: {  	[sflag:s28] =	ssyncadd.s32 $0xFFFF9C00  }
0x1d7: {  	_ =	swait.ge [sflag:s28], $0x6400  }
0x1d8: {  	[sflag:s28] =	ssyncset.done $0x0  }
0x1d9: {  	[sflag:s28] =	ssyncadd.s32 $0xFFFF9C00  }
0x1da: {  	_ =	swait.ge [sflag:s28], $0x6400  }
0x1db: {  	[sflag:s28] =	ssyncset.done $0x0  }
0x1dc: {  	[sflag:s28] =	ssyncadd.s32 $0xFFFF9C00  }
0x1dd: {  	_ =	swait.ge [sflag:s28], $0x6400  }
0x1de: {  	[sflag:s28] =	ssyncset.done $0x0  }
0x1df: {  	[sflag:s28] =	ssyncadd.s32 $0xFFFF9C00  }
0x1e0: {  	_ =	swait.ge [sflag:s28], $0x6400  }
0x1e1: {  	[sflag:s28] =	ssyncset.done $0x0  }
0x1e2: {  	[sflag:s28] =	ssyncadd.s32 $0xFFFF9C00  }
0x1e3: {  	_ =	swait.ge [sflag:s28], $0x6400  }
0x1e4: {  	[sflag:s28] =	ssyncset.done $0x0  }
0x1e5: {  	[sflag:s28] =	ssyncadd.s32 $0xFFFF9C00  }
0x1e6: {  	_ =	swait.ge [sflag:s28], $0x6400  }
0x1e7: {  	[sflag:s28] =	ssyncset.done $0x0  }
0x1e8: {  	[sflag:s28] =	ssyncadd.s32 $0xFFFF9C00  }
0x1e9: {  	_ =	swait.ge [sflag:s28], $0x6400  }
0x1ea: {  	[sflag:s28] =	ssyncset.done $0x0  }
0x1eb: {  	[sflag:s28] =	ssyncadd.s32 $0xFFFF9C00  }
0x1ec: {  	_ =	swait.ge [sflag:s28], $0x6400  }
0x1ed: {  	[sflag:s28] =	ssyncset.done $0x0  }
0x1ee: {  	[sflag:s28] =	ssyncadd.s32 $0xFFFF9C00  }
0x1ef: {  	_ =	swait.ge [sflag:s29], $0x1900  }
0x1f0: {  	s31 =	sadd.s32 $0x1, s31;
	s26 =	rddreg [dreg:$0x7]  }
0x1f1: {  	p0 =	sne.s32 s31, s26  }
.Ltmp36:
0x1f2: {  	_ = 	snop;
	(pc) =	sbr.rel @p0 .LBB2_1-.Ltmp36, $3  }
0x1f3: {  	_ =	sdelay $0x1  }
0x1f4: {  	[sflag:s29] =	ssyncset.done $0x0  }
0x1f5: {  	[sflag:s29] =	ssyncadd.s32 $0xFFFFE700  }
0x1f6: {  	_ =	sfence.sel $0x180000  }
0x1f7: {  	[bflag:$0x0] =	sbarrier.arrive $0xFFFF  }
0x1f8: {  	_ =	strace $0x90000047  }
0x1f9: {  	s0 =	stileid.u32;
	[bflag:$0x2] =	sbarrier.arrive $0xFFFF  }
0x1fa: {  	p0 =	sne.s32 s0, $0x0;
	s0 =	rddreg [dreg:$0x4]  }
0x1fb: {  	s0 =	sadd.s32 @!p0 $0x100000, s0  }
0x1fc: {  	[sflag:s0] =	ssyncadd.tile.s32 @!p0 $0x1;
	_ =	shalt  }
.Lfunc_end2:
_tile_overlayer_lowered:
.L_overlay_start_2:
0x1fd: {  	(tag) =	ssettag $0x2  }
0x1fe: {  	s0 =	rddreg [dreg:$0x0];
	s2 =	stileid.u32  }
0x1ff: {  	s1 =	rddreg [dreg:$0x1];
	p0 =	sne.s32 s2, $0x0  }
0x200: {  	s3 =	rddreg [dreg:$0x2];
	[bflag:$0x3] =	sbarrier.arrive $0xFFFF;
	s2 =	simm.s32 @!p0 $0x1C03  }
0x201: {  	[timem:s3], [sflag:s2] =	dma.local @!p0 [hbm:s0], s1  }
0x202: {  	s0 =	simm.s32 @!p0 $0x3  }
0x203: {  	_ =	swait.ge @!p0 [sflag:s0], s1  }
0x204: {  	s1 =	ssub.s32 @!p0 $0x0, s1;
	[sflag:s0] =	ssyncset.done @!p0 $0x0  }
0x205: {  	[sflag:s0] =	ssyncadd.s32 @!p0 s1  }
0x206: {  	[bflag:$0x3] =	sbarrier.arrive $0xFFFF  }
0x207: {  	_ =	shalt  }

</sc_bundles>
